<compile_context>
chip_gen: v7x
topology: tpu7x:2x2x1
jax: 0.10.2.dev20260603
libtpu: 0.0.44.dev20260713+nightly
codegen_flags: <defaults>
</compile_context>

<pallas_src>
import functools

import jax
import jax.numpy as jnp
from jax import lax
from jax.experimental import pallas as pl
from jax.experimental.pallas import tpu as pltpu
from jax.experimental.pallas import tpu_sc as plsc

ALPHA = 10.0
BETA = 0.1
N_PTS = 128
N_IMP = 64
L = 16
CH = 128


def _make_sc_kernel(n_rays):
    info = plsc.get_sparse_core_info()
    nw = info.num_cores * info.num_subcores
    rays_per_w = n_rays // nw
    n_chunks = rays_per_w // CH
    mesh = plsc.VectorSubcoreMesh(core_axis_name="c", subcore_axis_name="s")

    @functools.partial(
        pl.kernel,
        mesh=mesh,
        out_type=jax.ShapeDtypeStruct((n_rays * N_IMP,), jnp.float32),
        scratch_types=[
            pltpu.VMEM((CH * N_PTS,), jnp.float32),
            pltpu.VMEM((CH * N_PTS,), jnp.float32),
            pltpu.VMEM((CH * N_IMP,), jnp.float32),
            pltpu.VMEM((N_PTS,), jnp.float32),
        ],
        compiler_params=pltpu.CompilerParams(needs_layout_passes=False),
    )
    def k(d_hbm, sdf_hbm, out_hbm, dbuf, sbuf, obuf, cdfbuf):
        wid = lax.axis_index("s") * info.num_cores + lax.axis_index("c")
        iota = lax.iota(jnp.int32, L)

        def ray_body(r, _):
            rbase = r * N_PTS
            carry = jnp.float32(0.0)
            for kk in range(N_PTS // L):
                dk = dbuf[pl.ds(rbase + L * kk, L)]
                sdfk = sbuf[pl.ds(rbase + L * kk, L)]
                e = jnp.exp(jnp.abs(sdfk) * jnp.float32(-1.0 / BETA))
                a = jnp.float32(0.5 * ALPHA) * e
                sigma = jnp.where(sdfk >= 0, a, jnp.float32(ALPHA) - a)
                sh_idx = rbase + jnp.minimum(iota + (L * kk + 1), N_PTS - 1)
                dk1 = plsc.load_gather(dbuf, [sh_idx])
                s = sigma * (dk1 - dk)
                inc = plsc.cumsum(s)
                cdfk = jnp.float32(1.0) - jnp.exp(-(inc - s + carry))
                cdfbuf[pl.ds(L * kk, L)] = cdfk
                carry = carry + jnp.sum(s, axis=0)

            for qc in range(N_IMP // L):
                uq = (iota + (L * qc)).astype(jnp.float32) * jnp.float32(1.0 / 63.0)
                inds = jnp.zeros((L,), jnp.int32)
                for w in (64, 32, 16, 8, 4, 2, 1):
                    g = plsc.load_gather(cdfbuf, [inds + (w - 1)])
                    inds = jnp.where(g < uq, inds + w, inds)
                below = jnp.maximum(inds - 1, 0)
                above = jnp.minimum(inds, N_PTS - 2)
                g0 = plsc.load_gather(cdfbuf, [below])
                g1 = plsc.load_gather(cdfbuf, [above])
                b0 = plsc.load_gather(dbuf, [rbase + below])
                b1 = plsc.load_gather(dbuf, [rbase + above])
                den = g1 - g0
                den = jnp.where(den < jnp.float32(1e-5), jnp.float32(1.0), den)
                tq = (uq - g0) / den
                obuf[pl.ds(r * N_IMP + L * qc, L)] = b0 + tq * (b1 - b0)
            return 0

        def chunk_body(g, _):
            row0 = wid * rays_per_w + g * CH
            pltpu.sync_copy(d_hbm.at[pl.ds(row0 * N_PTS, CH * N_PTS)], dbuf)
            pltpu.sync_copy(sdf_hbm.at[pl.ds(row0 * N_PTS, CH * N_PTS)], sbuf)
            lax.fori_loop(0, CH, ray_body, 0)
            pltpu.sync_copy(obuf, out_hbm.at[pl.ds(row0 * N_IMP, CH * N_IMP)])
            return 0

        lax.fori_loop(0, n_chunks, chunk_body, 0)

    return k


@jax.jit
def kernel(d_vals, sdf):
    n_rays = d_vals.shape[0]
    k = _make_sc_kernel(n_rays)
    out = k(d_vals.reshape(-1), sdf.reshape(-1))
    return out.reshape(n_rays, N_IMP)

# --- scband reference (transcript-rebuilt; emitter-appended) ---
"""Pipeline reference for scband-single-renderer-32693291057835 (READ-ONLY COPY).

The authoritative reference and input builder live on the scoring server;
editing this copy changes nothing except your own understanding.
"""

import jax, jax.numpy as jnp
import numpy as np

N_RAYS = 65536
N_PTS = 128
N_IMPORTANCE = 64
BETA_NET = 0.1
ALPHA_NET = 10.0
NEAR = 0.0
FAR = 6.0


def sdf_to_sigma(sdf, alpha, beta):
    # Section 3.1: sdf -> density
    exp = 0.5 * jnp.exp(-jnp.abs(sdf) / beta)
    psi = jnp.where(sdf >= 0, exp, 1.0 - exp)
    return alpha * psi


def sample_cdf(bins, cdf, N_importance, eps=1e-5):
    # deterministic (det=True) inverse-CDF sampling, faithful to rend_util.sample_cdf
    u = jnp.linspace(0.0, 1.0, N_importance, dtype=bins.dtype)
    u = jnp.broadcast_to(u, (*cdf.shape[:-1], N_importance))
    cdf_s = jax.lax.stop_gradient(cdf)  # torch uses cdf.detach() for searchsorted
    inds = jax.vmap(lambda c, q: jnp.searchsorted(c, q, side='left'))(cdf_s, u)
    below = jnp.maximum(inds - 1, 0)
    above = jnp.minimum(inds, cdf.shape[-1] - 1)
    cdf_g0 = jnp.take_along_axis(cdf, below, axis=-1)
    cdf_g1 = jnp.take_along_axis(cdf, above, axis=-1)
    bins_g0 = jnp.take_along_axis(bins, below, axis=-1)
    bins_g1 = jnp.take_along_axis(bins, above, axis=-1)
    denom = cdf_g1 - cdf_g0
    denom = jnp.where(denom < eps, jnp.ones_like(denom), denom)
    t = (u - cdf_g0) / denom
    samples = bins_g0 + t * (bins_g1 - bins_g0)
    return samples


def setup_inputs(seed: int = 0) -> dict:
    key = jax.random.key(seed)
    k1, k2 = jax.random.split(key)
    # d_vals: sorted sample depths along each ray in [near, far]
    u = jax.random.uniform(k1, (N_RAYS, N_PTS), dtype=jnp.float32)
    d_vals = NEAR + (FAR - NEAR) * jnp.sort(u, axis=-1)
    # sdf values queried at those depths
    sdf = jax.random.normal(k2, (N_RAYS, N_PTS), dtype=jnp.float32) * 0.5
    return {"d_vals": d_vals, "sdf": sdf}


def reference(d_vals, sdf):
    # opacity_invert_cdf_sample from fine_sample (Section 3.4):
    # sdf -> sigma -> transmittance cumsum -> opacity CDF -> inverse-CDF sample
    sigma = sdf_to_sigma(sdf, ALPHA_NET, BETA_NET)
    delta_i = d_vals[..., 1:] - d_vals[..., :-1]
    R_t = jnp.concatenate(
        [jnp.zeros((*sdf.shape[:-1], 1), dtype=sdf.dtype),
         jnp.cumsum(sigma[..., :-1] * delta_i, axis=-1)], axis=-1)[..., :-1]
    opacity_approx = 1.0 - jnp.exp(-R_t)
    fine_dvals = sample_cdf(d_vals, opacity_approx, N_IMPORTANCE)
    return fine_dvals

if __name__ == "__main__":
    import jax
    _d = setup_inputs()
    print(jax.jit(kernel)(*tuple(_d.values())))

</pallas_src>

<mosaic_0001>
#map = affine_map<(d0, d1) -> (0)>
module attributes {stable_mosaic.version = 14 : i64} {
  func.func @k(%arg0: i32, %arg1: i32, %arg2: memref<8388608xf32, #tpu.memory_space<hbm>>, %arg3: memref<8388608xf32, #tpu.memory_space<hbm>>, %arg4: memref<4194304xf32, #tpu.memory_space<hbm>>, %arg5: memref<16384xf32, #tpu.memory_space<vmem>>, %arg6: memref<16384xf32, #tpu.memory_space<vmem>>, %arg7: memref<8192xf32, #tpu.memory_space<vmem>>, %arg8: memref<128xf32, #tpu.memory_space<vmem>>) attributes {dimension_semantics = [#tpu.dimension_semantics<core_parallel>, #tpu.dimension_semantics<subcore_parallel>], iteration_bounds = array<i64: 2, 16>, scalar_prefetch = 0 : i64, scratch_operands = 4 : i64, tpu.core_type = #tpu.core_type<sc_vector_subcore>, window_params = [{transform_indices = #map}, {transform_indices = #map}, {transform_indices = #map}]} {
    %mul3A = arith.constant 2 : i32
    %mul3A_0 = arith.muli %arg1, %mul3A : i32
    %add3A = arith.addi %mul3A_0, %arg0 : i32
    %iota3A = tpu.iota {dimensions = array<i32: 0>} : vector<16xi32>
    %scan3A = arith.constant 0 : i32
    %scan3A_1 = arith.constant 0 : i32
    %scan3A_2 = arith.constant 16 : i32
    %scan3A_3 = arith.addi %scan3A_1, %scan3A_2 : i32
    %scan3A_4 = arith.constant 1 : i32
    %scan3A_5 = scf.for %scan3A_7 = %scan3A_1 to %scan3A_3 step %scan3A_4 iter_args(%scan3A_8 = %scan3A) -> (i32)  : i32 {
      %mul3A_9 = arith.constant 2048 : i32
      %mul3A_10 = arith.muli %add3A, %mul3A_9 : i32
      %mul3A_11 = arith.constant 128 : i32
      %mul3A_12 = arith.muli %scan3A_7, %mul3A_11 : i32
      %add3A_13 = arith.addi %mul3A_10, %mul3A_12 : i32
      %mul3A_14 = arith.constant 128 : i32
      %mul3A_15 = arith.muli %add3A_13, %mul3A_14 : i32
      "tpu.region"() ({
        %run_scoped3A = tpu.sem_alloc : memref<!tpu.dma_semaphore, #tpu.memory_space<semaphore_mem>>
        %dma_start3A = tpu.memref_slice %arg2[%mul3A_15] : memref<8388608xf32, #tpu.memory_space<hbm>> -> memref<16384xf32, #tpu.memory_space<hbm>>
        %dma_start3A_28 = tpu.memref_slice %arg2[%mul3A_15] : memref<8388608xf32, #tpu.memory_space<hbm>> -> memref<16384xf32, #tpu.memory_space<hbm>>
        tpu.enqueue_dma source(%dma_start3A_28 : memref<16384xf32, #tpu.memory_space<hbm>>) target(%arg5 : memref<16384xf32, #tpu.memory_space<vmem>>) target_semaphore(%run_scoped3A : memref<!tpu.dma_semaphore, #tpu.memory_space<semaphore_mem>>)
        %dma_wait3A = tpu.memref_slice %arg2[%mul3A_15] : memref<8388608xf32, #tpu.memory_space<hbm>> -> memref<16384xf32, #tpu.memory_space<hbm>>
        %dma_wait3A_29 = tpu.memref_slice %arg2[%mul3A_15] : memref<8388608xf32, #tpu.memory_space<hbm>> -> memref<16384xf32, #tpu.memory_space<hbm>>
        tpu.wait_dma2 semaphore(%run_scoped3A : memref<!tpu.dma_semaphore, #tpu.memory_space<semaphore_mem>>) src(%dma_wait3A_29 : memref<16384xf32, #tpu.memory_space<hbm>>) dst(%arg5 : memref<16384xf32, #tpu.memory_space<vmem>>)
        tpu.yield
      }) : () -> ()
      %mul3A_16 = arith.constant 128 : i32
      %mul3A_17 = arith.muli %add3A_13, %mul3A_16 : i32
      "tpu.region"() ({
        %run_scoped3A = tpu.sem_alloc : memref<!tpu.dma_semaphore, #tpu.memory_space<semaphore_mem>>
        %dma_start3A = tpu.memref_slice %arg3[%mul3A_17] : memref<8388608xf32, #tpu.memory_space<hbm>> -> memref<16384xf32, #tpu.memory_space<hbm>>
        %dma_start3A_28 = tpu.memref_slice %arg3[%mul3A_17] : memref<8388608xf32, #tpu.memory_space<hbm>> -> memref<16384xf32, #tpu.memory_space<hbm>>
        tpu.enqueue_dma source(%dma_start3A_28 : memref<16384xf32, #tpu.memory_space<hbm>>) target(%arg6 : memref<16384xf32, #tpu.memory_space<vmem>>) target_semaphore(%run_scoped3A : memref<!tpu.dma_semaphore, #tpu.memory_space<semaphore_mem>>)
        %dma_wait3A = tpu.memref_slice %arg3[%mul3A_17] : memref<8388608xf32, #tpu.memory_space<hbm>> -> memref<16384xf32, #tpu.memory_space<hbm>>
        %dma_wait3A_29 = tpu.memref_slice %arg3[%mul3A_17] : memref<8388608xf32, #tpu.memory_space<hbm>> -> memref<16384xf32, #tpu.memory_space<hbm>>
        tpu.wait_dma2 semaphore(%run_scoped3A : memref<!tpu.dma_semaphore, #tpu.memory_space<semaphore_mem>>) src(%dma_wait3A_29 : memref<16384xf32, #tpu.memory_space<hbm>>) dst(%arg6 : memref<16384xf32, #tpu.memory_space<vmem>>)
        tpu.yield
      }) : () -> ()
      %scan3A_18 = arith.constant 0 : i32
      %scan3A_19 = arith.constant 0 : i32
      %scan3A_20 = arith.constant 128 : i32
      %scan3A_21 = arith.addi %scan3A_19, %scan3A_20 : i32
      %scan3A_22 = arith.constant 1 : i32
      %scan3A_23 = scf.for %scan3A_28 = %scan3A_19 to %scan3A_21 step %scan3A_22 iter_args(%scan3A_29 = %scan3A_18) -> (i32)  : i32 {
        %mul3A_30 = arith.constant 128 : i32
        %mul3A_31 = arith.muli %scan3A_28, %mul3A_30 : i32
        %add3A_32 = arith.constant 0 : i32
        %add3A_33 = arith.addi %mul3A_31, %add3A_32 : i32
        %get3A = arith.index_cast %add3A_33 : i32 to index
        %get3A_34 = tpu.vector_load %arg5[%get3A] {strides = array<i32>} : memref<16384xf32, #tpu.memory_space<vmem>>, vector<16xf32>,
        %add3A_35 = arith.constant 0 : i32
        %add3A_36 = arith.addi %mul3A_31, %add3A_35 : i32
        %get3A_37 = arith.index_cast %add3A_36 : i32 to index
        %get3A_38 = tpu.vector_load %arg6[%get3A_37] {strides = array<i32>} : memref<16384xf32, #tpu.memory_space<vmem>>, vector<16xf32>,
        %abs3A = math.absf %get3A_38 : vector<16xf32>
        %mul3A_39 = arith.constant -1.000000e+01 : f32
        %mul3A_40 = vector.broadcast %mul3A_39 : f32 to vector<16xf32>
        %mul3A_41 = arith.mulf %abs3A, %mul3A_40 : vector<16xf32>
        %exp3A = math.exp %mul3A_41 : vector<16xf32>
        %mul3A_42 = arith.constant 5.000000e+00 : f32
        %mul3A_43 = vector.broadcast %mul3A_42 : f32 to vector<16xf32>
        %mul3A_44 = arith.mulf %mul3A_43, %exp3A : vector<16xf32>
        %ge3A = arith.constant 0.000000e+00 : f32
        %ge3A_45 = vector.broadcast %ge3A : f32 to vector<16xf32>
        %ge3A_46 = arith.cmpf oge, %get3A_38, %ge3A_45 : vector<16xf32>
        %sub3A = arith.constant 1.000000e+01 : f32
        %sub3A_47 = vector.broadcast %sub3A : f32 to vector<16xf32>
        %sub3A_48 = arith.subf %sub3A_47, %mul3A_44 : vector<16xf32>
        %select_n3A = arith.select %ge3A_46, %mul3A_44, %sub3A_48 : vector<16xi1>, vector<16xf32>
        %add3A_49 = arith.constant 1 : i32
        %add3A_50 = vector.broadcast %add3A_49 : i32 to vector<16xi32>
        %add3A_51 = arith.addi %iota3A, %add3A_50 : vector<16xi32>
        %min3A = arith.constant 127 : i32
        %min3A_52 = vector.broadcast %min3A : i32 to vector<16xi32>
        %min3A_53 = arith.minsi %add3A_51, %min3A_52 : vector<16xi32>
        %add3A_54 = vector.broadcast %mul3A_31 : i32 to vector<16xi32>
        %add3A_55 = arith.addi %add3A_54, %min3A_53 : vector<16xi32>
        %gather3A = tpu.vector_load_idx %arg5[%add3A_55] : memref<16384xf32, #tpu.memory_space<vmem>>[vector<16xi32>], vector<16xf32>,
        %sub3A_56 = arith.subf %gather3A, %get3A_34 : vector<16xf32>
        %mul3A_57 = arith.mulf %select_n3A, %sub3A_56 : vector<16xf32>
        %broadcast_in_dim3A = arith.constant true
        %broadcast_in_dim3A_58 = vector.broadcast %broadcast_in_dim3A : i1 to vector<16xi1>
        %masked_cumsum3A = tpu.scan <sum>, %mul3A_57 masked %broadcast_in_dim3A_58 : vector<16xf32>, vector<16xi1> -> vector<16xf32>
        %sub3A_59 = arith.subf %masked_cumsum3A, %mul3A_57 : vector<16xf32>
        %add3A_60 = arith.constant 0.000000e+00 : f32
        %add3A_61 = vector.broadcast %add3A_60 : f32 to vector<16xf32>
        %add3A_62 = arith.addf %sub3A_59, %add3A_61 : vector<16xf32>
        %neg3A = arith.constant 0.000000e+00 : f32
        %neg3A_63 = vector.broadcast %neg3A : f32 to vector<16xf32>
        %neg3A_64 = arith.subf %neg3A_63, %add3A_62 : vector<16xf32>
        %exp3A_65 = math.exp %neg3A_64 : vector<16xf32>
        %sub3A_66 = arith.constant 1.000000e+00 : f32
        %sub3A_67 = vector.broadcast %sub3A_66 : f32 to vector<16xf32>
        %sub3A_68 = arith.subf %sub3A_67, %exp3A_65 : vector<16xf32>
        %swap3A = arith.constant 0 : index
        %swap3A_69 = tpu.vector_load %arg8[%swap3A] {strides = array<i32>} : memref<128xf32, #tpu.memory_space<vmem>>, vector<16xf32>,
        tpu.vector_store %arg8[%swap3A], %sub3A_68 {strides = array<i32>} : memref<128xf32, #tpu.memory_space<vmem>>, vector<16xf32>,
        %reduce_sum3A = arith.constant true
        %reduce_sum3A_70 = vector.broadcast %reduce_sum3A : i1 to vector<16xi1>
        %reduce_sum3A_71 = tpu.scan <sum>, %mul3A_57 masked %reduce_sum3A_70 : vector<16xf32>, vector<16xi1> -> vector<16xf32>
        %reduce_sum3A_72 = vector.extract %reduce_sum3A_71[15] : f32 from vector<16xf32>
        %add3A_73 = arith.constant 0.000000e+00 : f32
        %add3A_74 = arith.addf %add3A_73, %reduce_sum3A_72 : f32
        %add3A_75 = arith.constant 16 : i32
        %add3A_76 = arith.addi %mul3A_31, %add3A_75 : i32
        %get3A_77 = arith.index_cast %add3A_76 : i32 to index
        %get3A_78 = tpu.vector_load %arg5[%get3A_77] {strides = array<i32>} : memref<16384xf32, #tpu.memory_space<vmem>>, vector<16xf32>,
        %add3A_79 = arith.constant 16 : i32
        %add3A_80 = arith.addi %mul3A_31, %add3A_79 : i32
        %get3A_81 = arith.index_cast %add3A_80 : i32 to index
        %get3A_82 = tpu.vector_load %arg6[%get3A_81] {strides = array<i32>} : memref<16384xf32, #tpu.memory_space<vmem>>, vector<16xf32>,
        %abs3A_83 = math.absf %get3A_82 : vector<16xf32>
        %mul3A_84 = arith.constant -1.000000e+01 : f32
        %mul3A_85 = vector.broadcast %mul3A_84 : f32 to vector<16xf32>
        %mul3A_86 = arith.mulf %abs3A_83, %mul3A_85 : vector<16xf32>
        %exp3A_87 = math.exp %mul3A_86 : vector<16xf32>
        %mul3A_88 = arith.constant 5.000000e+00 : f32
        %mul3A_89 = vector.broadcast %mul3A_88 : f32 to vector<16xf32>
        %mul3A_90 = arith.mulf %mul3A_89, %exp3A_87 : vector<16xf32>
        %ge3A_91 = arith.constant 0.000000e+00 : f32
        %ge3A_92 = vector.broadcast %ge3A_91 : f32 to vector<16xf32>
        %ge3A_93 = arith.cmpf oge, %get3A_82, %ge3A_92 : vector<16xf32>
        %sub3A_94 = arith.constant 1.000000e+01 : f32
        %sub3A_95 = vector.broadcast %sub3A_94 : f32 to vector<16xf32>
        %sub3A_96 = arith.subf %sub3A_95, %mul3A_90 : vector<16xf32>
        %select_n3A_97 = arith.select %ge3A_93, %mul3A_90, %sub3A_96 : vector<16xi1>, vector<16xf32>
        %add3A_98 = arith.constant 17 : i32
        %add3A_99 = vector.broadcast %add3A_98 : i32 to vector<16xi32>
        %add3A_100 = arith.addi %iota3A, %add3A_99 : vector<16xi32>
        %min3A_101 = arith.constant 127 : i32
        %min3A_102 = vector.broadcast %min3A_101 : i32 to vector<16xi32>
        %min3A_103 = arith.minsi %add3A_100, %min3A_102 : vector<16xi32>
        %add3A_104 = vector.broadcast %mul3A_31 : i32 to vector<16xi32>
        %add3A_105 = arith.addi %add3A_104, %min3A_103 : vector<16xi32>
        %gather3A_106 = tpu.vector_load_idx %arg5[%add3A_105] : memref<16384xf32, #tpu.memory_space<vmem>>[vector<16xi32>], vector<16xf32>,
        %sub3A_107 = arith.subf %gather3A_106, %get3A_78 : vector<16xf32>
        %mul3A_108 = arith.mulf %select_n3A_97, %sub3A_107 : vector<16xf32>
        %broadcast_in_dim3A_109 = arith.constant true
        %broadcast_in_dim3A_110 = vector.broadcast %broadcast_in_dim3A_109 : i1 to vector<16xi1>
        %masked_cumsum3A_111 = tpu.scan <sum>, %mul3A_108 masked %broadcast_in_dim3A_110 : vector<16xf32>, vector<16xi1> -> vector<16xf32>
        %sub3A_112 = arith.subf %masked_cumsum3A_111, %mul3A_108 : vector<16xf32>
        %add3A_113 = vector.broadcast %add3A_74 : f32 to vector<16xf32>
        %add3A_114 = arith.addf %sub3A_112, %add3A_113 : vector<16xf32>
        %neg3A_115 = arith.constant 0.000000e+00 : f32
        %neg3A_116 = vector.broadcast %neg3A_115 : f32 to vector<16xf32>
        %neg3A_117 = arith.subf %neg3A_116, %add3A_114 : vector<16xf32>
        %exp3A_118 = math.exp %neg3A_117 : vector<16xf32>
        %sub3A_119 = arith.constant 1.000000e+00 : f32
        %sub3A_120 = vector.broadcast %sub3A_119 : f32 to vector<16xf32>
        %sub3A_121 = arith.subf %sub3A_120, %exp3A_118 : vector<16xf32>
        %swap3A_122 = arith.constant 16 : index
        %swap3A_123 = tpu.vector_load %arg8[%swap3A_122] {strides = array<i32>} : memref<128xf32, #tpu.memory_space<vmem>>, vector<16xf32>,
        tpu.vector_store %arg8[%swap3A_122], %sub3A_121 {strides = array<i32>} : memref<128xf32, #tpu.memory_space<vmem>>, vector<16xf32>,
        %reduce_sum3A_124 = arith.constant true
        %reduce_sum3A_125 = vector.broadcast %reduce_sum3A_124 : i1 to vector<16xi1>
        %reduce_sum3A_126 = tpu.scan <sum>, %mul3A_108 masked %reduce_sum3A_125 : vector<16xf32>, vector<16xi1> -> vector<16xf32>
        %reduce_sum3A_127 = vector.extract %reduce_sum3A_126[15] : f32 from vector<16xf32>
        %add3A_128 = arith.addf %add3A_74, %reduce_sum3A_127 : f32
        %add3A_129 = arith.constant 32 : i32
        %add3A_130 = arith.addi %mul3A_31, %add3A_129 : i32
        %get3A_131 = arith.index_cast %add3A_130 : i32 to index
        %get3A_132 = tpu.vector_load %arg5[%get3A_131] {strides = array<i32>} : memref<16384xf32, #tpu.memory_space<vmem>>, vector<16xf32>,
        %add3A_133 = arith.constant 32 : i32
        %add3A_134 = arith.addi %mul3A_31, %add3A_133 : i32
        %get3A_135 = arith.index_cast %add3A_134 : i32 to index
        %get3A_136 = tpu.vector_load %arg6[%get3A_135] {strides = array<i32>} : memref<16384xf32, #tpu.memory_space<vmem>>, vector<16xf32>,
        %abs3A_137 = math.absf %get3A_136 : vector<16xf32>
        %mul3A_138 = arith.constant -1.000000e+01 : f32
        %mul3A_139 = vector.broadcast %mul3A_138 : f32 to vector<16xf32>
        %mul3A_140 = arith.mulf %abs3A_137, %mul3A_139 : vector<16xf32>
        %exp3A_141 = math.exp %mul3A_140 : vector<16xf32>
        %mul3A_142 = arith.constant 5.000000e+00 : f32
        %mul3A_143 = vector.broadcast %mul3A_142 : f32 to vector<16xf32>
        %mul3A_144 = arith.mulf %mul3A_143, %exp3A_141 : vector<16xf32>
        %ge3A_145 = arith.constant 0.000000e+00 : f32
        %ge3A_146 = vector.broadcast %ge3A_145 : f32 to vector<16xf32>
        %ge3A_147 = arith.cmpf oge, %get3A_136, %ge3A_146 : vector<16xf32>
        %sub3A_148 = arith.constant 1.000000e+01 : f32
        %sub3A_149 = vector.broadcast %sub3A_148 : f32 to vector<16xf32>
        %sub3A_150 = arith.subf %sub3A_149, %mul3A_144 : vector<16xf32>
        %select_n3A_151 = arith.select %ge3A_147, %mul3A_144, %sub3A_150 : vector<16xi1>, vector<16xf32>
        %add3A_152 = arith.constant 33 : i32
        %add3A_153 = vector.broadcast %add3A_152 : i32 to vector<16xi32>
        %add3A_154 = arith.addi %iota3A, %add3A_153 : vector<16xi32>
        %min3A_155 = arith.constant 127 : i32
        %min3A_156 = vector.broadcast %min3A_155 : i32 to vector<16xi32>
        %min3A_157 = arith.minsi %add3A_154, %min3A_156 : vector<16xi32>
        %add3A_158 = vector.broadcast %mul3A_31 : i32 to vector<16xi32>
        %add3A_159 = arith.addi %add3A_158, %min3A_157 : vector<16xi32>
        %gather3A_160 = tpu.vector_load_idx %arg5[%add3A_159] : memref<16384xf32, #tpu.memory_space<vmem>>[vector<16xi32>], vector<16xf32>,
        %sub3A_161 = arith.subf %gather3A_160, %get3A_132 : vector<16xf32>
        %mul3A_162 = arith.mulf %select_n3A_151, %sub3A_161 : vector<16xf32>
        %broadcast_in_dim3A_163 = arith.constant true
        %broadcast_in_dim3A_164 = vector.broadcast %broadcast_in_dim3A_163 : i1 to vector<16xi1>
        %masked_cumsum3A_165 = tpu.scan <sum>, %mul3A_162 masked %broadcast_in_dim3A_164 : vector<16xf32>, vector<16xi1> -> vector<16xf32>
        %sub3A_166 = arith.subf %masked_cumsum3A_165, %mul3A_162 : vector<16xf32>
        %add3A_167 = vector.broadcast %add3A_128 : f32 to vector<16xf32>
        %add3A_168 = arith.addf %sub3A_166, %add3A_167 : vector<16xf32>
        %neg3A_169 = arith.constant 0.000000e+00 : f32
        %neg3A_170 = vector.broadcast %neg3A_169 : f32 to vector<16xf32>
        %neg3A_171 = arith.subf %neg3A_170, %add3A_168 : vector<16xf32>
        %exp3A_172 = math.exp %neg3A_171 : vector<16xf32>
        %sub3A_173 = arith.constant 1.000000e+00 : f32
        %sub3A_174 = vector.broadcast %sub3A_173 : f32 to vector<16xf32>
        %sub3A_175 = arith.subf %sub3A_174, %exp3A_172 : vector<16xf32>
        %swap3A_176 = arith.constant 32 : index
        %swap3A_177 = tpu.vector_load %arg8[%swap3A_176] {strides = array<i32>} : memref<128xf32, #tpu.memory_space<vmem>>, vector<16xf32>,
        tpu.vector_store %arg8[%swap3A_176], %sub3A_175 {strides = array<i32>} : memref<128xf32, #tpu.memory_space<vmem>>, vector<16xf32>,
        %reduce_sum3A_178 = arith.constant true
        %reduce_sum3A_179 = vector.broadcast %reduce_sum3A_178 : i1 to vector<16xi1>
        %reduce_sum3A_180 = tpu.scan <sum>, %mul3A_162 masked %reduce_sum3A_179 : vector<16xf32>, vector<16xi1> -> vector<16xf32>
        %reduce_sum3A_181 = vector.extract %reduce_sum3A_180[15] : f32 from vector<16xf32>
        %add3A_182 = arith.addf %add3A_128, %reduce_sum3A_181 : f32
        %add3A_183 = arith.constant 48 : i32
        %add3A_184 = arith.addi %mul3A_31, %add3A_183 : i32
        %get3A_185 = arith.index_cast %add3A_184 : i32 to index
        %get3A_186 = tpu.vector_load %arg5[%get3A_185] {strides = array<i32>} : memref<16384xf32, #tpu.memory_space<vmem>>, vector<16xf32>,
        %add3A_187 = arith.constant 48 : i32
        %add3A_188 = arith.addi %mul3A_31, %add3A_187 : i32
        %get3A_189 = arith.index_cast %add3A_188 : i32 to index
        %get3A_190 = tpu.vector_load %arg6[%get3A_189] {strides = array<i32>} : memref<16384xf32, #tpu.memory_space<vmem>>, vector<16xf32>,
        %abs3A_191 = math.absf %get3A_190 : vector<16xf32>
        %mul3A_192 = arith.constant -1.000000e+01 : f32
        %mul3A_193 = vector.broadcast %mul3A_192 : f32 to vector<16xf32>
        %mul3A_194 = arith.mulf %abs3A_191, %mul3A_193 : vector<16xf32>
        %exp3A_195 = math.exp %mul3A_194 : vector<16xf32>
        %mul3A_196 = arith.constant 5.000000e+00 : f32
        %mul3A_197 = vector.broadcast %mul3A_196 : f32 to vector<16xf32>
        %mul3A_198 = arith.mulf %mul3A_197, %exp3A_195 : vector<16xf32>
        %ge3A_199 = arith.constant 0.000000e+00 : f32
        %ge3A_200 = vector.broadcast %ge3A_199 : f32 to vector<16xf32>
        %ge3A_201 = arith.cmpf oge, %get3A_190, %ge3A_200 : vector<16xf32>
        %sub3A_202 = arith.constant 1.000000e+01 : f32
        %sub3A_203 = vector.broadcast %sub3A_202 : f32 to vector<16xf32>
        %sub3A_204 = arith.subf %sub3A_203, %mul3A_198 : vector<16xf32>
        %select_n3A_205 = arith.select %ge3A_201, %mul3A_198, %sub3A_204 : vector<16xi1>, vector<16xf32>
        %add3A_206 = arith.constant 49 : i32
        %add3A_207 = vector.broadcast %add3A_206 : i32 to vector<16xi32>
        %add3A_208 = arith.addi %iota3A, %add3A_207 : vector<16xi32>
        %min3A_209 = arith.constant 127 : i32
        %min3A_210 = vector.broadcast %min3A_209 : i32 to vector<16xi32>
        %min3A_211 = arith.minsi %add3A_208, %min3A_210 : vector<16xi32>
        %add3A_212 = vector.broadcast %mul3A_31 : i32 to vector<16xi32>
        %add3A_213 = arith.addi %add3A_212, %min3A_211 : vector<16xi32>
        %gather3A_214 = tpu.vector_load_idx %arg5[%add3A_213] : memref<16384xf32, #tpu.memory_space<vmem>>[vector<16xi32>], vector<16xf32>,
        %sub3A_215 = arith.subf %gather3A_214, %get3A_186 : vector<16xf32>
        %mul3A_216 = arith.mulf %select_n3A_205, %sub3A_215 : vector<16xf32>
        %broadcast_in_dim3A_217 = arith.constant true
        %broadcast_in_dim3A_218 = vector.broadcast %broadcast_in_dim3A_217 : i1 to vector<16xi1>
        %masked_cumsum3A_219 = tpu.scan <sum>, %mul3A_216 masked %broadcast_in_dim3A_218 : vector<16xf32>, vector<16xi1> -> vector<16xf32>
        %sub3A_220 = arith.subf %masked_cumsum3A_219, %mul3A_216 : vector<16xf32>
        %add3A_221 = vector.broadcast %add3A_182 : f32 to vector<16xf32>
        %add3A_222 = arith.addf %sub3A_220, %add3A_221 : vector<16xf32>
        %neg3A_223 = arith.constant 0.000000e+00 : f32
        %neg3A_224 = vector.broadcast %neg3A_223 : f32 to vector<16xf32>
        %neg3A_225 = arith.subf %neg3A_224, %add3A_222 : vector<16xf32>
        %exp3A_226 = math.exp %neg3A_225 : vector<16xf32>
        %sub3A_227 = arith.constant 1.000000e+00 : f32
        %sub3A_228 = vector.broadcast %sub3A_227 : f32 to vector<16xf32>
        %sub3A_229 = arith.subf %sub3A_228, %exp3A_226 : vector<16xf32>
        %swap3A_230 = arith.constant 48 : index
        %swap3A_231 = tpu.vector_load %arg8[%swap3A_230] {strides = array<i32>} : memref<128xf32, #tpu.memory_space<vmem>>, vector<16xf32>,
        tpu.vector_store %arg8[%swap3A_230], %sub3A_229 {strides = array<i32>} : memref<128xf32, #tpu.memory_space<vmem>>, vector<16xf32>,
        %reduce_sum3A_232 = arith.constant true
        %reduce_sum3A_233 = vector.broadcast %reduce_sum3A_232 : i1 to vector<16xi1>
        %reduce_sum3A_234 = tpu.scan <sum>, %mul3A_216 masked %reduce_sum3A_233 : vector<16xf32>, vector<16xi1> -> vector<16xf32>
        %reduce_sum3A_235 = vector.extract %reduce_sum3A_234[15] : f32 from vector<16xf32>
        %add3A_236 = arith.addf %add3A_182, %reduce_sum3A_235 : f32
        %add3A_237 = arith.constant 64 : i32
        %add3A_238 = arith.addi %mul3A_31, %add3A_237 : i32
        %get3A_239 = arith.index_cast %add3A_238 : i32 to index
        %get3A_240 = tpu.vector_load %arg5[%get3A_239] {strides = array<i32>} : memref<16384xf32, #tpu.memory_space<vmem>>, vector<16xf32>,
        %add3A_241 = arith.constant 64 : i32
        %add3A_242 = arith.addi %mul3A_31, %add3A_241 : i32
        %get3A_243 = arith.index_cast %add3A_242 : i32 to index
        %get3A_244 = tpu.vector_load %arg6[%get3A_243] {strides = array<i32>} : memref<16384xf32, #tpu.memory_space<vmem>>, vector<16xf32>,
        %abs3A_245 = math.absf %get3A_244 : vector<16xf32>
        %mul3A_246 = arith.constant -1.000000e+01 : f32
        %mul3A_247 = vector.broadcast %mul3A_246 : f32 to vector<16xf32>
        %mul3A_248 = arith.mulf %abs3A_245, %mul3A_247 : vector<16xf32>
        %exp3A_249 = math.exp %mul3A_248 : vector<16xf32>
        %mul3A_250 = arith.constant 5.000000e+00 : f32
        %mul3A_251 = vector.broadcast %mul3A_250 : f32 to vector<16xf32>
        %mul3A_252 = arith.mulf %mul3A_251, %exp3A_249 : vector<16xf32>
        %ge3A_253 = arith.constant 0.000000e+00 : f32
        %ge3A_254 = vector.broadcast %ge3A_253 : f32 to vector<16xf32>
        %ge3A_255 = arith.cmpf oge, %get3A_244, %ge3A_254 : vector<16xf32>
        %sub3A_256 = arith.constant 1.000000e+01 : f32
        %sub3A_257 = vector.broadcast %sub3A_256 : f32 to vector<16xf32>
        %sub3A_258 = arith.subf %sub3A_257, %mul3A_252 : vector<16xf32>
        %select_n3A_259 = arith.select %ge3A_255, %mul3A_252, %sub3A_258 : vector<16xi1>, vector<16xf32>
        %add3A_260 = arith.constant 65 : i32
        %add3A_261 = vector.broadcast %add3A_260 : i32 to vector<16xi32>
        %add3A_262 = arith.addi %iota3A, %add3A_261 : vector<16xi32>
        %min3A_263 = arith.constant 127 : i32
        %min3A_264 = vector.broadcast %min3A_263 : i32 to vector<16xi32>
        %min3A_265 = arith.minsi %add3A_262, %min3A_264 : vector<16xi32>
        %add3A_266 = vector.broadcast %mul3A_31 : i32 to vector<16xi32>
        %add3A_267 = arith.addi %add3A_266, %min3A_265 : vector<16xi32>
        %gather3A_268 = tpu.vector_load_idx %arg5[%add3A_267] : memref<16384xf32, #tpu.memory_space<vmem>>[vector<16xi32>], vector<16xf32>,
        %sub3A_269 = arith.subf %gather3A_268, %get3A_240 : vector<16xf32>
        %mul3A_270 = arith.mulf %select_n3A_259, %sub3A_269 : vector<16xf32>
        %broadcast_in_dim3A_271 = arith.constant true
        %broadcast_in_dim3A_272 = vector.broadcast %broadcast_in_dim3A_271 : i1 to vector<16xi1>
        %masked_cumsum3A_273 = tpu.scan <sum>, %mul3A_270 masked %broadcast_in_dim3A_272 : vector<16xf32>, vector<16xi1> -> vector<16xf32>
        %sub3A_274 = arith.subf %masked_cumsum3A_273, %mul3A_270 : vector<16xf32>
        %add3A_275 = vector.broadcast %add3A_236 : f32 to vector<16xf32>
        %add3A_276 = arith.addf %sub3A_274, %add3A_275 : vector<16xf32>
        %neg3A_277 = arith.constant 0.000000e+00 : f32
        %neg3A_278 = vector.broadcast %neg3A_277 : f32 to vector<16xf32>
        %neg3A_279 = arith.subf %neg3A_278, %add3A_276 : vector<16xf32>
        %exp3A_280 = math.exp %neg3A_279 : vector<16xf32>
        %sub3A_281 = arith.constant 1.000000e+00 : f32
        %sub3A_282 = vector.broadcast %sub3A_281 : f32 to vector<16xf32>
        %sub3A_283 = arith.subf %sub3A_282, %exp3A_280 : vector<16xf32>
        %swap3A_284 = arith.constant 64 : index
        %swap3A_285 = tpu.vector_load %arg8[%swap3A_284] {strides = array<i32>} : memref<128xf32, #tpu.memory_space<vmem>>, vector<16xf32>,
        tpu.vector_store %arg8[%swap3A_284], %sub3A_283 {strides = array<i32>} : memref<128xf32, #tpu.memory_space<vmem>>, vector<16xf32>,
        %reduce_sum3A_286 = arith.constant true
        %reduce_sum3A_287 = vector.broadcast %reduce_sum3A_286 : i1 to vector<16xi1>
        %reduce_sum3A_288 = tpu.scan <sum>, %mul3A_270 masked %reduce_sum3A_287 : vector<16xf32>, vector<16xi1> -> vector<16xf32>
        %reduce_sum3A_289 = vector.extract %reduce_sum3A_288[15] : f32 from vector<16xf32>
        %add3A_290 = arith.addf %add3A_236, %reduce_sum3A_289 : f32
        %add3A_291 = arith.constant 80 : i32
        %add3A_292 = arith.addi %mul3A_31, %add3A_291 : i32
        %get3A_293 = arith.index_cast %add3A_292 : i32 to index
        %get3A_294 = tpu.vector_load %arg5[%get3A_293] {strides = array<i32>} : memref<16384xf32, #tpu.memory_space<vmem>>, vector<16xf32>,
        %add3A_295 = arith.constant 80 : i32
        %add3A_296 = arith.addi %mul3A_31, %add3A_295 : i32
        %get3A_297 = arith.index_cast %add3A_296 : i32 to index
        %get3A_298 = tpu.vector_load %arg6[%get3A_297] {strides = array<i32>} : memref<16384xf32, #tpu.memory_space<vmem>>, vector<16xf32>,
        %abs3A_299 = math.absf %get3A_298 : vector<16xf32>
        %mul3A_300 = arith.constant -1.000000e+01 : f32
        %mul3A_301 = vector.broadcast %mul3A_300 : f32 to vector<16xf32>
        %mul3A_302 = arith.mulf %abs3A_299, %mul3A_301 : vector<16xf32>
        %exp3A_303 = math.exp %mul3A_302 : vector<16xf32>
        %mul3A_304 = arith.constant 5.000000e+00 : f32
        %mul3A_305 = vector.broadcast %mul3A_304 : f32 to vector<16xf32>
        %mul3A_306 = arith.mulf %mul3A_305, %exp3A_303 : vector<16xf32>
        %ge3A_307 = arith.constant 0.000000e+00 : f32
        %ge3A_308 = vector.broadcast %ge3A_307 : f32 to vector<16xf32>
        %ge3A_309 = arith.cmpf oge, %get3A_298, %ge3A_308 : vector<16xf32>
        %sub3A_310 = arith.constant 1.000000e+01 : f32
        %sub3A_311 = vector.broadcast %sub3A_310 : f32 to vector<16xf32>
        %sub3A_312 = arith.subf %sub3A_311, %mul3A_306 : vector<16xf32>
        %select_n3A_313 = arith.select %ge3A_309, %mul3A_306, %sub3A_312 : vector<16xi1>, vector<16xf32>
        %add3A_314 = arith.constant 81 : i32
        %add3A_315 = vector.broadcast %add3A_314 : i32 to vector<16xi32>
        %add3A_316 = arith.addi %iota3A, %add3A_315 : vector<16xi32>
        %min3A_317 = arith.constant 127 : i32
        %min3A_318 = vector.broadcast %min3A_317 : i32 to vector<16xi32>
        %min3A_319 = arith.minsi %add3A_316, %min3A_318 : vector<16xi32>
        %add3A_320 = vector.broadcast %mul3A_31 : i32 to vector<16xi32>
        %add3A_321 = arith.addi %add3A_320, %min3A_319 : vector<16xi32>
        %gather3A_322 = tpu.vector_load_idx %arg5[%add3A_321] : memref<16384xf32, #tpu.memory_space<vmem>>[vector<16xi32>], vector<16xf32>,
        %sub3A_323 = arith.subf %gather3A_322, %get3A_294 : vector<16xf32>
        %mul3A_324 = arith.mulf %select_n3A_313, %sub3A_323 : vector<16xf32>
        %broadcast_in_dim3A_325 = arith.constant true
        %broadcast_in_dim3A_326 = vector.broadcast %broadcast_in_dim3A_325 : i1 to vector<16xi1>
        %masked_cumsum3A_327 = tpu.scan <sum>, %mul3A_324 masked %broadcast_in_dim3A_326 : vector<16xf32>, vector<16xi1> -> vector<16xf32>
        %sub3A_328 = arith.subf %masked_cumsum3A_327, %mul3A_324 : vector<16xf32>
        %add3A_329 = vector.broadcast %add3A_290 : f32 to vector<16xf32>
        %add3A_330 = arith.addf %sub3A_328, %add3A_329 : vector<16xf32>
        %neg3A_331 = arith.constant 0.000000e+00 : f32
        %neg3A_332 = vector.broadcast %neg3A_331 : f32 to vector<16xf32>
        %neg3A_333 = arith.subf %neg3A_332, %add3A_330 : vector<16xf32>
        %exp3A_334 = math.exp %neg3A_333 : vector<16xf32>
        %sub3A_335 = arith.constant 1.000000e+00 : f32
        %sub3A_336 = vector.broadcast %sub3A_335 : f32 to vector<16xf32>
        %sub3A_337 = arith.subf %sub3A_336, %exp3A_334 : vector<16xf32>
        %swap3A_338 = arith.constant 80 : index
        %swap3A_339 = tpu.vector_load %arg8[%swap3A_338] {strides = array<i32>} : memref<128xf32, #tpu.memory_space<vmem>>, vector<16xf32>,
        tpu.vector_store %arg8[%swap3A_338], %sub3A_337 {strides = array<i32>} : memref<128xf32, #tpu.memory_space<vmem>>, vector<16xf32>,
        %reduce_sum3A_340 = arith.constant true
        %reduce_sum3A_341 = vector.broadcast %reduce_sum3A_340 : i1 to vector<16xi1>
        %reduce_sum3A_342 = tpu.scan <sum>, %mul3A_324 masked %reduce_sum3A_341 : vector<16xf32>, vector<16xi1> -> vector<16xf32>
        %reduce_sum3A_343 = vector.extract %reduce_sum3A_342[15] : f32 from vector<16xf32>
        %add3A_344 = arith.addf %add3A_290, %reduce_sum3A_343 : f32
        %add3A_345 = arith.constant 96 : i32
        %add3A_346 = arith.addi %mul3A_31, %add3A_345 : i32
        %get3A_347 = arith.index_cast %add3A_346 : i32 to index
        %get3A_348 = tpu.vector_load %arg5[%get3A_347] {strides = array<i32>} : memref<16384xf32, #tpu.memory_space<vmem>>, vector<16xf32>,
        %add3A_349 = arith.constant 96 : i32
        %add3A_350 = arith.addi %mul3A_31, %add3A_349 : i32
        %get3A_351 = arith.index_cast %add3A_350 : i32 to index
        %get3A_352 = tpu.vector_load %arg6[%get3A_351] {strides = array<i32>} : memref<16384xf32, #tpu.memory_space<vmem>>, vector<16xf32>,
        %abs3A_353 = math.absf %get3A_352 : vector<16xf32>
        %mul3A_354 = arith.constant -1.000000e+01 : f32
        %mul3A_355 = vector.broadcast %mul3A_354 : f32 to vector<16xf32>
        %mul3A_356 = arith.mulf %abs3A_353, %mul3A_355 : vector<16xf32>
        %exp3A_357 = math.exp %mul3A_356 : vector<16xf32>
        %mul3A_358 = arith.constant 5.000000e+00 : f32
        %mul3A_359 = vector.broadcast %mul3A_358 : f32 to vector<16xf32>
        %mul3A_360 = arith.mulf %mul3A_359, %exp3A_357 : vector<16xf32>
        %ge3A_361 = arith.constant 0.000000e+00 : f32
        %ge3A_362 = vector.broadcast %ge3A_361 : f32 to vector<16xf32>
        %ge3A_363 = arith.cmpf oge, %get3A_352, %ge3A_362 : vector<16xf32>
        %sub3A_364 = arith.constant 1.000000e+01 : f32
        %sub3A_365 = vector.broadcast %sub3A_364 : f32 to vector<16xf32>
        %sub3A_366 = arith.subf %sub3A_365, %mul3A_360 : vector<16xf32>
        %select_n3A_367 = arith.select %ge3A_363, %mul3A_360, %sub3A_366 : vector<16xi1>, vector<16xf32>
        %add3A_368 = arith.constant 97 : i32
        %add3A_369 = vector.broadcast %add3A_368 : i32 to vector<16xi32>
        %add3A_370 = arith.addi %iota3A, %add3A_369 : vector<16xi32>
        %min3A_371 = arith.constant 127 : i32
        %min3A_372 = vector.broadcast %min3A_371 : i32 to vector<16xi32>
        %min3A_373 = arith.minsi %add3A_370, %min3A_372 : vector<16xi32>
        %add3A_374 = vector.broadcast %mul3A_31 : i32 to vector<16xi32>
        %add3A_375 = arith.addi %add3A_374, %min3A_373 : vector<16xi32>
        %gather3A_376 = tpu.vector_load_idx %arg5[%add3A_375] : memref<16384xf32, #tpu.memory_space<vmem>>[vector<16xi32>], vector<16xf32>,
        %sub3A_377 = arith.subf %gather3A_376, %get3A_348 : vector<16xf32>
        %mul3A_378 = arith.mulf %select_n3A_367, %sub3A_377 : vector<16xf32>
        %broadcast_in_dim3A_379 = arith.constant true
        %broadcast_in_dim3A_380 = vector.broadcast %broadcast_in_dim3A_379 : i1 to vector<16xi1>
        %masked_cumsum3A_381 = tpu.scan <sum>, %mul3A_378 masked %broadcast_in_dim3A_380 : vector<16xf32>, vector<16xi1> -> vector<16xf32>
        %sub3A_382 = arith.subf %masked_cumsum3A_381, %mul3A_378 : vector<16xf32>
        %add3A_383 = vector.broadcast %add3A_344 : f32 to vector<16xf32>
        %add3A_384 = arith.addf %sub3A_382, %add3A_383 : vector<16xf32>
        %neg3A_385 = arith.constant 0.000000e+00 : f32
        %neg3A_386 = vector.broadcast %neg3A_385 : f32 to vector<16xf32>
        %neg3A_387 = arith.subf %neg3A_386, %add3A_384 : vector<16xf32>
        %exp3A_388 = math.exp %neg3A_387 : vector<16xf32>
        %sub3A_389 = arith.constant 1.000000e+00 : f32
        %sub3A_390 = vector.broadcast %sub3A_389 : f32 to vector<16xf32>
        %sub3A_391 = arith.subf %sub3A_390, %exp3A_388 : vector<16xf32>
        %swap3A_392 = arith.constant 96 : index
        %swap3A_393 = tpu.vector_load %arg8[%swap3A_392] {strides = array<i32>} : memref<128xf32, #tpu.memory_space<vmem>>, vector<16xf32>,
        tpu.vector_store %arg8[%swap3A_392], %sub3A_391 {strides = array<i32>} : memref<128xf32, #tpu.memory_space<vmem>>, vector<16xf32>,
        %reduce_sum3A_394 = arith.constant true
        %reduce_sum3A_395 = vector.broadcast %reduce_sum3A_394 : i1 to vector<16xi1>
        %reduce_sum3A_396 = tpu.scan <sum>, %mul3A_378 masked %reduce_sum3A_395 : vector<16xf32>, vector<16xi1> -> vector<16xf32>
        %reduce_sum3A_397 = vector.extract %reduce_sum3A_396[15] : f32 from vector<16xf32>
        %add3A_398 = arith.addf %add3A_344, %reduce_sum3A_397 : f32
        %add3A_399 = arith.constant 112 : i32
        %add3A_400 = arith.addi %mul3A_31, %add3A_399 : i32
        %get3A_401 = arith.index_cast %add3A_400 : i32 to index
        %get3A_402 = tpu.vector_load %arg5[%get3A_401] {strides = array<i32>} : memref<16384xf32, #tpu.memory_space<vmem>>, vector<16xf32>,
        %add3A_403 = arith.constant 112 : i32
        %add3A_404 = arith.addi %mul3A_31, %add3A_403 : i32
        %get3A_405 = arith.index_cast %add3A_404 : i32 to index
        %get3A_406 = tpu.vector_load %arg6[%get3A_405] {strides = array<i32>} : memref<16384xf32, #tpu.memory_space<vmem>>, vector<16xf32>,
        %abs3A_407 = math.absf %get3A_406 : vector<16xf32>
        %mul3A_408 = arith.constant -1.000000e+01 : f32
        %mul3A_409 = vector.broadcast %mul3A_408 : f32 to vector<16xf32>
        %mul3A_410 = arith.mulf %abs3A_407, %mul3A_409 : vector<16xf32>
        %exp3A_411 = math.exp %mul3A_410 : vector<16xf32>
        %mul3A_412 = arith.constant 5.000000e+00 : f32
        %mul3A_413 = vector.broadcast %mul3A_412 : f32 to vector<16xf32>
        %mul3A_414 = arith.mulf %mul3A_413, %exp3A_411 : vector<16xf32>
        %ge3A_415 = arith.constant 0.000000e+00 : f32
        %ge3A_416 = vector.broadcast %ge3A_415 : f32 to vector<16xf32>
        %ge3A_417 = arith.cmpf oge, %get3A_406, %ge3A_416 : vector<16xf32>
        %sub3A_418 = arith.constant 1.000000e+01 : f32
        %sub3A_419 = vector.broadcast %sub3A_418 : f32 to vector<16xf32>
        %sub3A_420 = arith.subf %sub3A_419, %mul3A_414 : vector<16xf32>
        %select_n3A_421 = arith.select %ge3A_417, %mul3A_414, %sub3A_420 : vector<16xi1>, vector<16xf32>
        %add3A_422 = arith.constant 113 : i32
        %add3A_423 = vector.broadcast %add3A_422 : i32 to vector<16xi32>
        %add3A_424 = arith.addi %iota3A, %add3A_423 : vector<16xi32>
        %min3A_425 = arith.constant 127 : i32
        %min3A_426 = vector.broadcast %min3A_425 : i32 to vector<16xi32>
        %min3A_427 = arith.minsi %add3A_424, %min3A_426 : vector<16xi32>
        %add3A_428 = vector.broadcast %mul3A_31 : i32 to vector<16xi32>
        %add3A_429 = arith.addi %add3A_428, %min3A_427 : vector<16xi32>
        %gather3A_430 = tpu.vector_load_idx %arg5[%add3A_429] : memref<16384xf32, #tpu.memory_space<vmem>>[vector<16xi32>], vector<16xf32>,
        %sub3A_431 = arith.subf %gather3A_430, %get3A_402 : vector<16xf32>
        %mul3A_432 = arith.mulf %select_n3A_421, %sub3A_431 : vector<16xf32>
        %broadcast_in_dim3A_433 = arith.constant true
        %broadcast_in_dim3A_434 = vector.broadcast %broadcast_in_dim3A_433 : i1 to vector<16xi1>
        %masked_cumsum3A_435 = tpu.scan <sum>, %mul3A_432 masked %broadcast_in_dim3A_434 : vector<16xf32>, vector<16xi1> -> vector<16xf32>
        %sub3A_436 = arith.subf %masked_cumsum3A_435, %mul3A_432 : vector<16xf32>
        %add3A_437 = vector.broadcast %add3A_398 : f32 to vector<16xf32>
        %add3A_438 = arith.addf %sub3A_436, %add3A_437 : vector<16xf32>
        %neg3A_439 = arith.constant 0.000000e+00 : f32
        %neg3A_440 = vector.broadcast %neg3A_439 : f32 to vector<16xf32>
        %neg3A_441 = arith.subf %neg3A_440, %add3A_438 : vector<16xf32>
        %exp3A_442 = math.exp %neg3A_441 : vector<16xf32>
        %sub3A_443 = arith.constant 1.000000e+00 : f32
        %sub3A_444 = vector.broadcast %sub3A_443 : f32 to vector<16xf32>
        %sub3A_445 = arith.subf %sub3A_444, %exp3A_442 : vector<16xf32>
        %swap3A_446 = arith.constant 112 : index
        %swap3A_447 = tpu.vector_load %arg8[%swap3A_446] {strides = array<i32>} : memref<128xf32, #tpu.memory_space<vmem>>, vector<16xf32>,
        tpu.vector_store %arg8[%swap3A_446], %sub3A_445 {strides = array<i32>} : memref<128xf32, #tpu.memory_space<vmem>>, vector<16xf32>,
        %reduce_sum3A_448 = arith.constant true
        %reduce_sum3A_449 = vector.broadcast %reduce_sum3A_448 : i1 to vector<16xi1>
        %reduce_sum3A_450 = tpu.scan <sum>, %mul3A_432 masked %reduce_sum3A_449 : vector<16xf32>, vector<16xi1> -> vector<16xf32>
        %reduce_sum3A_451 = vector.extract %reduce_sum3A_450[15] : f32 from vector<16xf32>
        %add3A_452 = arith.addf %add3A_398, %reduce_sum3A_451 : f32
        %add3A_453 = arith.constant 0 : i32
        %add3A_454 = vector.broadcast %add3A_453 : i32 to vector<16xi32>
        %add3A_455 = arith.addi %iota3A, %add3A_454 : vector<16xi32>
        %convert_element_type3A = arith.sitofp %add3A_455 : vector<16xi32> to vector<16xf32>
        %mul3A_456 = arith.constant 0.0158730168 : f32
        %mul3A_457 = vector.broadcast %mul3A_456 : f32 to vector<16xf32>
        %mul3A_458 = arith.mulf %convert_element_type3A, %mul3A_457 : vector<16xf32>
        %broadcast_in_dim3A_459 = arith.constant 0 : i32
        %broadcast_in_dim3A_460 = vector.broadcast %broadcast_in_dim3A_459 : i32 to vector<16xi32>
        %add3A_461 = arith.constant 63 : i32
        %add3A_462 = vector.broadcast %add3A_461 : i32 to vector<16xi32>
        %add3A_463 = arith.addi %broadcast_in_dim3A_460, %add3A_462 : vector<16xi32>
        %gather3A_464 = tpu.vector_load_idx %arg8[%add3A_463] : memref<128xf32, #tpu.memory_space<vmem>>[vector<16xi32>], vector<16xf32>,
        %lt3A = arith.cmpf olt, %gather3A_464, %mul3A_458 : vector<16xf32>
        %add3A_465 = arith.constant 64 : i32
        %add3A_466 = vector.broadcast %add3A_465 : i32 to vector<16xi32>
        %add3A_467 = arith.addi %broadcast_in_dim3A_460, %add3A_466 : vector<16xi32>
        %select_n3A_468 = arith.select %lt3A, %add3A_467, %broadcast_in_dim3A_460 : vector<16xi1>, vector<16xi32>
        %add3A_469 = arith.constant 31 : i32
        %add3A_470 = vector.broadcast %add3A_469 : i32 to vector<16xi32>
        %add3A_471 = arith.addi %select_n3A_468, %add3A_470 : vector<16xi32>
        %gather3A_472 = tpu.vector_load_idx %arg8[%add3A_471] : memref<128xf32, #tpu.memory_space<vmem>>[vector<16xi32>], vector<16xf32>,
        %lt3A_473 = arith.cmpf olt, %gather3A_472, %mul3A_458 : vector<16xf32>
        %add3A_474 = arith.constant 32 : i32
        %add3A_475 = vector.broadcast %add3A_474 : i32 to vector<16xi32>
        %add3A_476 = arith.addi %select_n3A_468, %add3A_475 : vector<16xi32>
        %select_n3A_477 = arith.select %lt3A_473, %add3A_476, %select_n3A_468 : vector<16xi1>, vector<16xi32>
        %add3A_478 = arith.constant 15 : i32
        %add3A_479 = vector.broadcast %add3A_478 : i32 to vector<16xi32>
        %add3A_480 = arith.addi %select_n3A_477, %add3A_479 : vector<16xi32>
        %gather3A_481 = tpu.vector_load_idx %arg8[%add3A_480] : memref<128xf32, #tpu.memory_space<vmem>>[vector<16xi32>], vector<16xf32>,
        %lt3A_482 = arith.cmpf olt, %gather3A_481, %mul3A_458 : vector<16xf32>
        %add3A_483 = arith.constant 16 : i32
        %add3A_484 = vector.broadcast %add3A_483 : i32 to vector<16xi32>
        %add3A_485 = arith.addi %select_n3A_477, %add3A_484 : vector<16xi32>
        %select_n3A_486 = arith.select %lt3A_482, %add3A_485, %select_n3A_477 : vector<16xi1>, vector<16xi32>
        %add3A_487 = arith.constant 7 : i32
        %add3A_488 = vector.broadcast %add3A_487 : i32 to vector<16xi32>
        %add3A_489 = arith.addi %select_n3A_486, %add3A_488 : vector<16xi32>
        %gather3A_490 = tpu.vector_load_idx %arg8[%add3A_489] : memref<128xf32, #tpu.memory_space<vmem>>[vector<16xi32>], vector<16xf32>,
        %lt3A_491 = arith.cmpf olt, %gather3A_490, %mul3A_458 : vector<16xf32>
        %add3A_492 = arith.constant 8 : i32
        %add3A_493 = vector.broadcast %add3A_492 : i32 to vector<16xi32>
        %add3A_494 = arith.addi %select_n3A_486, %add3A_493 : vector<16xi32>
        %select_n3A_495 = arith.select %lt3A_491, %add3A_494, %select_n3A_486 : vector<16xi1>, vector<16xi32>
        %add3A_496 = arith.constant 3 : i32
        %add3A_497 = vector.broadcast %add3A_496 : i32 to vector<16xi32>
        %add3A_498 = arith.addi %select_n3A_495, %add3A_497 : vector<16xi32>
        %gather3A_499 = tpu.vector_load_idx %arg8[%add3A_498] : memref<128xf32, #tpu.memory_space<vmem>>[vector<16xi32>], vector<16xf32>,
        %lt3A_500 = arith.cmpf olt, %gather3A_499, %mul3A_458 : vector<16xf32>
        %add3A_501 = arith.constant 4 : i32
        %add3A_502 = vector.broadcast %add3A_501 : i32 to vector<16xi32>
        %add3A_503 = arith.addi %select_n3A_495, %add3A_502 : vector<16xi32>
        %select_n3A_504 = arith.select %lt3A_500, %add3A_503, %select_n3A_495 : vector<16xi1>, vector<16xi32>
        %add3A_505 = arith.constant 1 : i32
        %add3A_506 = vector.broadcast %add3A_505 : i32 to vector<16xi32>
        %add3A_507 = arith.addi %select_n3A_504, %add3A_506 : vector<16xi32>
        %gather3A_508 = tpu.vector_load_idx %arg8[%add3A_507] : memref<128xf32, #tpu.memory_space<vmem>>[vector<16xi32>], vector<16xf32>,
        %lt3A_509 = arith.cmpf olt, %gather3A_508, %mul3A_458 : vector<16xf32>
        %add3A_510 = arith.constant 2 : i32
        %add3A_511 = vector.broadcast %add3A_510 : i32 to vector<16xi32>
        %add3A_512 = arith.addi %select_n3A_504, %add3A_511 : vector<16xi32>
        %select_n3A_513 = arith.select %lt3A_509, %add3A_512, %select_n3A_504 : vector<16xi1>, vector<16xi32>
        %add3A_514 = arith.constant 0 : i32
        %add3A_515 = vector.broadcast %add3A_514 : i32 to vector<16xi32>
        %add3A_516 = arith.addi %select_n3A_513, %add3A_515 : vector<16xi32>
        %gather3A_517 = tpu.vector_load_idx %arg8[%add3A_516] : memref<128xf32, #tpu.memory_space<vmem>>[vector<16xi32>], vector<16xf32>,
        %lt3A_518 = arith.cmpf olt, %gather3A_517, %mul3A_458 : vector<16xf32>
        %add3A_519 = arith.constant 1 : i32
        %add3A_520 = vector.broadcast %add3A_519 : i32 to vector<16xi32>
        %add3A_521 = arith.addi %select_n3A_513, %add3A_520 : vector<16xi32>
        %select_n3A_522 = arith.select %lt3A_518, %add3A_521, %select_n3A_513 : vector<16xi1>, vector<16xi32>
        %sub3A_523 = arith.constant 1 : i32
        %sub3A_524 = vector.broadcast %sub3A_523 : i32 to vector<16xi32>
        %sub3A_525 = arith.subi %select_n3A_522, %sub3A_524 : vector<16xi32>
        %max3A = arith.constant 0 : i32
        %max3A_526 = vector.broadcast %max3A : i32 to vector<16xi32>
        %max3A_527 = arith.maxsi %sub3A_525, %max3A_526 : vector<16xi32>
        %min3A_528 = arith.constant 126 : i32
        %min3A_529 = vector.broadcast %min3A_528 : i32 to vector<16xi32>
        %min3A_530 = arith.minsi %select_n3A_522, %min3A_529 : vector<16xi32>
        %gather3A_531 = tpu.vector_load_idx %arg8[%max3A_527] : memref<128xf32, #tpu.memory_space<vmem>>[vector<16xi32>], vector<16xf32>,
        %gather3A_532 = tpu.vector_load_idx %arg8[%min3A_530] : memref<128xf32, #tpu.memory_space<vmem>>[vector<16xi32>], vector<16xf32>,
        %add3A_533 = vector.broadcast %mul3A_31 : i32 to vector<16xi32>
        %add3A_534 = arith.addi %add3A_533, %max3A_527 : vector<16xi32>
        %gather3A_535 = tpu.vector_load_idx %arg5[%add3A_534] : memref<16384xf32, #tpu.memory_space<vmem>>[vector<16xi32>], vector<16xf32>,
        %add3A_536 = vector.broadcast %mul3A_31 : i32 to vector<16xi32>
        %add3A_537 = arith.addi %add3A_536, %min3A_530 : vector<16xi32>
        %gather3A_538 = tpu.vector_load_idx %arg5[%add3A_537] : memref<16384xf32, #tpu.memory_space<vmem>>[vector<16xi32>], vector<16xf32>,
        %sub3A_539 = arith.subf %gather3A_532, %gather3A_531 : vector<16xf32>
        %lt3A_540 = arith.constant 9.99999974E-6 : f32
        %lt3A_541 = vector.broadcast %lt3A_540 : f32 to vector<16xf32>
        %lt3A_542 = arith.cmpf olt, %sub3A_539, %lt3A_541 : vector<16xf32>
        %jit3A = arith.constant 1.000000e+00 : f32
        %broadcast_in_dim3A_543 = vector.broadcast %jit3A : f32 to vector<16xf32>
        %select_n3A_544 = arith.select %lt3A_542, %broadcast_in_dim3A_543, %sub3A_539 : vector<16xi1>, vector<16xf32>
        %sub3A_545 = arith.subf %mul3A_458, %gather3A_531 : vector<16xf32>
        %div3A = arith.divf %sub3A_545, %select_n3A_544 : vector<16xf32>
        %sub3A_546 = arith.subf %gather3A_538, %gather3A_535 : vector<16xf32>
        %mul3A_547 = arith.mulf %div3A, %sub3A_546 : vector<16xf32>
        %add3A_548 = arith.addf %gather3A_535, %mul3A_547 : vector<16xf32>
        %mul3A_549 = arith.constant 64 : i32
        %mul3A_550 = arith.muli %scan3A_28, %mul3A_549 : i32
        %add3A_551 = arith.constant 0 : i32
        %add3A_552 = arith.addi %mul3A_550, %add3A_551 : i32
        %swap3A_553 = arith.index_cast %add3A_552 : i32 to index
        %swap3A_554 = tpu.vector_load %arg7[%swap3A_553] {strides = array<i32>} : memref<8192xf32, #tpu.memory_space<vmem>>, vector<16xf32>,
        tpu.vector_store %arg7[%swap3A_553], %add3A_548 {strides = array<i32>} : memref<8192xf32, #tpu.memory_space<vmem>>, vector<16xf32>,
        %add3A_555 = arith.constant 16 : i32
        %add3A_556 = vector.broadcast %add3A_555 : i32 to vector<16xi32>
        %add3A_557 = arith.addi %iota3A, %add3A_556 : vector<16xi32>
        %convert_element_type3A_558 = arith.sitofp %add3A_557 : vector<16xi32> to vector<16xf32>
        %mul3A_559 = arith.constant 0.0158730168 : f32
        %mul3A_560 = vector.broadcast %mul3A_559 : f32 to vector<16xf32>
        %mul3A_561 = arith.mulf %convert_element_type3A_558, %mul3A_560 : vector<16xf32>
        %broadcast_in_dim3A_562 = arith.constant 0 : i32
        %broadcast_in_dim3A_563 = vector.broadcast %broadcast_in_dim3A_562 : i32 to vector<16xi32>
        %add3A_564 = arith.constant 63 : i32
        %add3A_565 = vector.broadcast %add3A_564 : i32 to vector<16xi32>
        %add3A_566 = arith.addi %broadcast_in_dim3A_563, %add3A_565 : vector<16xi32>
        %gather3A_567 = tpu.vector_load_idx %arg8[%add3A_566] : memref<128xf32, #tpu.memory_space<vmem>>[vector<16xi32>], vector<16xf32>,
        %lt3A_568 = arith.cmpf olt, %gather3A_567, %mul3A_561 : vector<16xf32>
        %add3A_569 = arith.constant 64 : i32
        %add3A_570 = vector.broadcast %add3A_569 : i32 to vector<16xi32>
        %add3A_571 = arith.addi %broadcast_in_dim3A_563, %add3A_570 : vector<16xi32>
        %select_n3A_572 = arith.select %lt3A_568, %add3A_571, %broadcast_in_dim3A_563 : vector<16xi1>, vector<16xi32>
        %add3A_573 = arith.constant 31 : i32
        %add3A_574 = vector.broadcast %add3A_573 : i32 to vector<16xi32>
        %add3A_575 = arith.addi %select_n3A_572, %add3A_574 : vector<16xi32>
        %gather3A_576 = tpu.vector_load_idx %arg8[%add3A_575] : memref<128xf32, #tpu.memory_space<vmem>>[vector<16xi32>], vector<16xf32>,
        %lt3A_577 = arith.cmpf olt, %gather3A_576, %mul3A_561 : vector<16xf32>
        %add3A_578 = arith.constant 32 : i32
        %add3A_579 = vector.broadcast %add3A_578 : i32 to vector<16xi32>
        %add3A_580 = arith.addi %select_n3A_572, %add3A_579 : vector<16xi32>
        %select_n3A_581 = arith.select %lt3A_577, %add3A_580, %select_n3A_572 : vector<16xi1>, vector<16xi32>
        %add3A_582 = arith.constant 15 : i32
        %add3A_583 = vector.broadcast %add3A_582 : i32 to vector<16xi32>
        %add3A_584 = arith.addi %select_n3A_581, %add3A_583 : vector<16xi32>
        %gather3A_585 = tpu.vector_load_idx %arg8[%add3A_584] : memref<128xf32, #tpu.memory_space<vmem>>[vector<16xi32>], vector<16xf32>,
        %lt3A_586 = arith.cmpf olt, %gather3A_585, %mul3A_561 : vector<16xf32>
        %add3A_587 = arith.constant 16 : i32
        %add3A_588 = vector.broadcast %add3A_587 : i32 to vector<16xi32>
        %add3A_589 = arith.addi %select_n3A_581, %add3A_588 : vector<16xi32>
        %select_n3A_590 = arith.select %lt3A_586, %add3A_589, %select_n3A_581 : vector<16xi1>, vector<16xi32>
        %add3A_591 = arith.constant 7 : i32
        %add3A_592 = vector.broadcast %add3A_591 : i32 to vector<16xi32>
        %add3A_593 = arith.addi %select_n3A_590, %add3A_592 : vector<16xi32>
        %gather3A_594 = tpu.vector_load_idx %arg8[%add3A_593] : memref<128xf32, #tpu.memory_space<vmem>>[vector<16xi32>], vector<16xf32>,
        %lt3A_595 = arith.cmpf olt, %gather3A_594, %mul3A_561 : vector<16xf32>
        %add3A_596 = arith.constant 8 : i32
        %add3A_597 = vector.broadcast %add3A_596 : i32 to vector<16xi32>
        %add3A_598 = arith.addi %select_n3A_590, %add3A_597 : vector<16xi32>
        %select_n3A_599 = arith.select %lt3A_595, %add3A_598, %select_n3A_590 : vector<16xi1>, vector<16xi32>
        %add3A_600 = arith.constant 3 : i32
        %add3A_601 = vector.broadcast %add3A_600 : i32 to vector<16xi32>
        %add3A_602 = arith.addi %select_n3A_599, %add3A_601 : vector<16xi32>
        %gather3A_603 = tpu.vector_load_idx %arg8[%add3A_602] : memref<128xf32, #tpu.memory_space<vmem>>[vector<16xi32>], vector<16xf32>,
        %lt3A_604 = arith.cmpf olt, %gather3A_603, %mul3A_561 : vector<16xf32>
        %add3A_605 = arith.constant 4 : i32
        %add3A_606 = vector.broadcast %add3A_605 : i32 to vector<16xi32>
        %add3A_607 = arith.addi %select_n3A_599, %add3A_606 : vector<16xi32>
        %select_n3A_608 = arith.select %lt3A_604, %add3A_607, %select_n3A_599 : vector<16xi1>, vector<16xi32>
        %add3A_609 = arith.constant 1 : i32
        %add3A_610 = vector.broadcast %add3A_609 : i32 to vector<16xi32>
        %add3A_611 = arith.addi %select_n3A_608, %add3A_610 : vector<16xi32>
        %gather3A_612 = tpu.vector_load_idx %arg8[%add3A_611] : memref<128xf32, #tpu.memory_space<vmem>>[vector<16xi32>], vector<16xf32>,
        %lt3A_613 = arith.cmpf olt, %gather3A_612, %mul3A_561 : vector<16xf32>
        %add3A_614 = arith.constant 2 : i32
        %add3A_615 = vector.broadcast %add3A_614 : i32 to vector<16xi32>
        %add3A_616 = arith.addi %select_n3A_608, %add3A_615 : vector<16xi32>
        %select_n3A_617 = arith.select %lt3A_613, %add3A_616, %select_n3A_608 : vector<16xi1>, vector<16xi32>
        %add3A_618 = arith.constant 0 : i32
        %add3A_619 = vector.broadcast %add3A_618 : i32 to vector<16xi32>
        %add3A_620 = arith.addi %select_n3A_617, %add3A_619 : vector<16xi32>
        %gather3A_621 = tpu.vector_load_idx %arg8[%add3A_620] : memref<128xf32, #tpu.memory_space<vmem>>[vector<16xi32>], vector<16xf32>,
        %lt3A_622 = arith.cmpf olt, %gather3A_621, %mul3A_561 : vector<16xf32>
        %add3A_623 = arith.constant 1 : i32
        %add3A_624 = vector.broadcast %add3A_623 : i32 to vector<16xi32>
        %add3A_625 = arith.addi %select_n3A_617, %add3A_624 : vector<16xi32>
        %select_n3A_626 = arith.select %lt3A_622, %add3A_625, %select_n3A_617 : vector<16xi1>, vector<16xi32>
        %sub3A_627 = arith.constant 1 : i32
        %sub3A_628 = vector.broadcast %sub3A_627 : i32 to vector<16xi32>
        %sub3A_629 = arith.subi %select_n3A_626, %sub3A_628 : vector<16xi32>
        %max3A_630 = arith.constant 0 : i32
        %max3A_631 = vector.broadcast %max3A_630 : i32 to vector<16xi32>
        %max3A_632 = arith.maxsi %sub3A_629, %max3A_631 : vector<16xi32>
        %min3A_633 = arith.constant 126 : i32
        %min3A_634 = vector.broadcast %min3A_633 : i32 to vector<16xi32>
        %min3A_635 = arith.minsi %select_n3A_626, %min3A_634 : vector<16xi32>
        %gather3A_636 = tpu.vector_load_idx %arg8[%max3A_632] : memref<128xf32, #tpu.memory_space<vmem>>[vector<16xi32>], vector<16xf32>,
        %gather3A_637 = tpu.vector_load_idx %arg8[%min3A_635] : memref<128xf32, #tpu.memory_space<vmem>>[vector<16xi32>], vector<16xf32>,
        %add3A_638 = vector.broadcast %mul3A_31 : i32 to vector<16xi32>
        %add3A_639 = arith.addi %add3A_638, %max3A_632 : vector<16xi32>
        %gather3A_640 = tpu.vector_load_idx %arg5[%add3A_639] : memref<16384xf32, #tpu.memory_space<vmem>>[vector<16xi32>], vector<16xf32>,
        %add3A_641 = vector.broadcast %mul3A_31 : i32 to vector<16xi32>
        %add3A_642 = arith.addi %add3A_641, %min3A_635 : vector<16xi32>
        %gather3A_643 = tpu.vector_load_idx %arg5[%add3A_642] : memref<16384xf32, #tpu.memory_space<vmem>>[vector<16xi32>], vector<16xf32>,
        %sub3A_644 = arith.subf %gather3A_637, %gather3A_636 : vector<16xf32>
        %lt3A_645 = arith.constant 9.99999974E-6 : f32
        %lt3A_646 = vector.broadcast %lt3A_645 : f32 to vector<16xf32>
        %lt3A_647 = arith.cmpf olt, %sub3A_644, %lt3A_646 : vector<16xf32>
        %jit3A_648 = arith.constant 1.000000e+00 : f32
        %broadcast_in_dim3A_649 = vector.broadcast %jit3A_648 : f32 to vector<16xf32>
        %select_n3A_650 = arith.select %lt3A_647, %broadcast_in_dim3A_649, %sub3A_644 : vector<16xi1>, vector<16xf32>
        %sub3A_651 = arith.subf %mul3A_561, %gather3A_636 : vector<16xf32>
        %div3A_652 = arith.divf %sub3A_651, %select_n3A_650 : vector<16xf32>
        %sub3A_653 = arith.subf %gather3A_643, %gather3A_640 : vector<16xf32>
        %mul3A_654 = arith.mulf %div3A_652, %sub3A_653 : vector<16xf32>
        %add3A_655 = arith.addf %gather3A_640, %mul3A_654 : vector<16xf32>
        %mul3A_656 = arith.constant 64 : i32
        %mul3A_657 = arith.muli %scan3A_28, %mul3A_656 : i32
        %add3A_658 = arith.constant 16 : i32
        %add3A_659 = arith.addi %mul3A_657, %add3A_658 : i32
        %swap3A_660 = arith.index_cast %add3A_659 : i32 to index
        %swap3A_661 = tpu.vector_load %arg7[%swap3A_660] {strides = array<i32>} : memref<8192xf32, #tpu.memory_space<vmem>>, vector<16xf32>,
        tpu.vector_store %arg7[%swap3A_660], %add3A_655 {strides = array<i32>} : memref<8192xf32, #tpu.memory_space<vmem>>, vector<16xf32>,
        %add3A_662 = arith.constant 32 : i32
        %add3A_663 = vector.broadcast %add3A_662 : i32 to vector<16xi32>
        %add3A_664 = arith.addi %iota3A, %add3A_663 : vector<16xi32>
        %convert_element_type3A_665 = arith.sitofp %add3A_664 : vector<16xi32> to vector<16xf32>
        %mul3A_666 = arith.constant 0.0158730168 : f32
        %mul3A_667 = vector.broadcast %mul3A_666 : f32 to vector<16xf32>
        %mul3A_668 = arith.mulf %convert_element_type3A_665, %mul3A_667 : vector<16xf32>
        %broadcast_in_dim3A_669 = arith.constant 0 : i32
        %broadcast_in_dim3A_670 = vector.broadcast %broadcast_in_dim3A_669 : i32 to vector<16xi32>
        %add3A_671 = arith.constant 63 : i32
        %add3A_672 = vector.broadcast %add3A_671 : i32 to vector<16xi32>
        %add3A_673 = arith.addi %broadcast_in_dim3A_670, %add3A_672 : vector<16xi32>
        %gather3A_674 = tpu.vector_load_idx %arg8[%add3A_673] : memref<128xf32, #tpu.memory_space<vmem>>[vector<16xi32>], vector<16xf32>,
        %lt3A_675 = arith.cmpf olt, %gather3A_674, %mul3A_668 : vector<16xf32>
        %add3A_676 = arith.constant 64 : i32
        %add3A_677 = vector.broadcast %add3A_676 : i32 to vector<16xi32>
        %add3A_678 = arith.addi %broadcast_in_dim3A_670, %add3A_677 : vector<16xi32>
        %select_n3A_679 = arith.select %lt3A_675, %add3A_678, %broadcast_in_dim3A_670 : vector<16xi1>, vector<16xi32>
        %add3A_680 = arith.constant 31 : i32
        %add3A_681 = vector.broadcast %add3A_680 : i32 to vector<16xi32>
        %add3A_682 = arith.addi %select_n3A_679, %add3A_681 : vector<16xi32>
        %gather3A_683 = tpu.vector_load_idx %arg8[%add3A_682] : memref<128xf32, #tpu.memory_space<vmem>>[vector<16xi32>], vector<16xf32>,
        %lt3A_684 = arith.cmpf olt, %gather3A_683, %mul3A_668 : vector<16xf32>
        %add3A_685 = arith.constant 32 : i32
        %add3A_686 = vector.broadcast %add3A_685 : i32 to vector<16xi32>
        %add3A_687 = arith.addi %select_n3A_679, %add3A_686 : vector<16xi32>
        %select_n3A_688 = arith.select %lt3A_684, %add3A_687, %select_n3A_679 : vector<16xi1>, vector<16xi32>
        %add3A_689 = arith.constant 15 : i32
        %add3A_690 = vector.broadcast %add3A_689 : i32 to vector<16xi32>
        %add3A_691 = arith.addi %select_n3A_688, %add3A_690 : vector<16xi32>
        %gather3A_692 = tpu.vector_load_idx %arg8[%add3A_691] : memref<128xf32, #tpu.memory_space<vmem>>[vector<16xi32>], vector<16xf32>,
        %lt3A_693 = arith.cmpf olt, %gather3A_692, %mul3A_668 : vector<16xf32>
        %add3A_694 = arith.constant 16 : i32
        %add3A_695 = vector.broadcast %add3A_694 : i32 to vector<16xi32>
        %add3A_696 = arith.addi %select_n3A_688, %add3A_695 : vector<16xi32>
        %select_n3A_697 = arith.select %lt3A_693, %add3A_696, %select_n3A_688 : vector<16xi1>, vector<16xi32>
        %add3A_698 = arith.constant 7 : i32
        %add3A_699 = vector.broadcast %add3A_698 : i32 to vector<16xi32>
        %add3A_700 = arith.addi %select_n3A_697, %add3A_699 : vector<16xi32>
        %gather3A_701 = tpu.vector_load_idx %arg8[%add3A_700] : memref<128xf32, #tpu.memory_space<vmem>>[vector<16xi32>], vector<16xf32>,
        %lt3A_702 = arith.cmpf olt, %gather3A_701, %mul3A_668 : vector<16xf32>
        %add3A_703 = arith.constant 8 : i32
        %add3A_704 = vector.broadcast %add3A_703 : i32 to vector<16xi32>
        %add3A_705 = arith.addi %select_n3A_697, %add3A_704 : vector<16xi32>
        %select_n3A_706 = arith.select %lt3A_702, %add3A_705, %select_n3A_697 : vector<16xi1>, vector<16xi32>
        %add3A_707 = arith.constant 3 : i32
        %add3A_708 = vector.broadcast %add3A_707 : i32 to vector<16xi32>
        %add3A_709 = arith.addi %select_n3A_706, %add3A_708 : vector<16xi32>
        %gather3A_710 = tpu.vector_load_idx %arg8[%add3A_709] : memref<128xf32, #tpu.memory_space<vmem>>[vector<16xi32>], vector<16xf32>,
        %lt3A_711 = arith.cmpf olt, %gather3A_710, %mul3A_668 : vector<16xf32>
        %add3A_712 = arith.constant 4 : i32
        %add3A_713 = vector.broadcast %add3A_712 : i32 to vector<16xi32>
        %add3A_714 = arith.addi %select_n3A_706, %add3A_713 : vector<16xi32>
        %select_n3A_715 = arith.select %lt3A_711, %add3A_714, %select_n3A_706 : vector<16xi1>, vector<16xi32>
        %add3A_716 = arith.constant 1 : i32
        %add3A_717 = vector.broadcast %add3A_716 : i32 to vector<16xi32>
        %add3A_718 = arith.addi %select_n3A_715, %add3A_717 : vector<16xi32>
        %gather3A_719 = tpu.vector_load_idx %arg8[%add3A_718] : memref<128xf32, #tpu.memory_space<vmem>>[vector<16xi32>], vector<16xf32>,
        %lt3A_720 = arith.cmpf olt, %gather3A_719, %mul3A_668 : vector<16xf32>
        %add3A_721 = arith.constant 2 : i32
        %add3A_722 = vector.broadcast %add3A_721 : i32 to vector<16xi32>
        %add3A_723 = arith.addi %select_n3A_715, %add3A_722 : vector<16xi32>
        %select_n3A_724 = arith.select %lt3A_720, %add3A_723, %select_n3A_715 : vector<16xi1>, vector<16xi32>
        %add3A_725 = arith.constant 0 : i32
        %add3A_726 = vector.broadcast %add3A_725 : i32 to vector<16xi32>
        %add3A_727 = arith.addi %select_n3A_724, %add3A_726 : vector<16xi32>
        %gather3A_728 = tpu.vector_load_idx %arg8[%add3A_727] : memref<128xf32, #tpu.memory_space<vmem>>[vector<16xi32>], vector<16xf32>,
        %lt3A_729 = arith.cmpf olt, %gather3A_728, %mul3A_668 : vector<16xf32>
        %add3A_730 = arith.constant 1 : i32
        %add3A_731 = vector.broadcast %add3A_730 : i32 to vector<16xi32>
        %add3A_732 = arith.addi %select_n3A_724, %add3A_731 : vector<16xi32>
        %select_n3A_733 = arith.select %lt3A_729, %add3A_732, %select_n3A_724 : vector<16xi1>, vector<16xi32>
        %sub3A_734 = arith.constant 1 : i32
        %sub3A_735 = vector.broadcast %sub3A_734 : i32 to vector<16xi32>
        %sub3A_736 = arith.subi %select_n3A_733, %sub3A_735 : vector<16xi32>
        %max3A_737 = arith.constant 0 : i32
        %max3A_738 = vector.broadcast %max3A_737 : i32 to vector<16xi32>
        %max3A_739 = arith.maxsi %sub3A_736, %max3A_738 : vector<16xi32>
        %min3A_740 = arith.constant 126 : i32
        %min3A_741 = vector.broadcast %min3A_740 : i32 to vector<16xi32>
        %min3A_742 = arith.minsi %select_n3A_733, %min3A_741 : vector<16xi32>
        %gather3A_743 = tpu.vector_load_idx %arg8[%max3A_739] : memref<128xf32, #tpu.memory_space<vmem>>[vector<16xi32>], vector<16xf32>,
        %gather3A_744 = tpu.vector_load_idx %arg8[%min3A_742] : memref<128xf32, #tpu.memory_space<vmem>>[vector<16xi32>], vector<16xf32>,
        %add3A_745 = vector.broadcast %mul3A_31 : i32 to vector<16xi32>
        %add3A_746 = arith.addi %add3A_745, %max3A_739 : vector<16xi32>
        %gather3A_747 = tpu.vector_load_idx %arg5[%add3A_746] : memref<16384xf32, #tpu.memory_space<vmem>>[vector<16xi32>], vector<16xf32>,
        %add3A_748 = vector.broadcast %mul3A_31 : i32 to vector<16xi32>
        %add3A_749 = arith.addi %add3A_748, %min3A_742 : vector<16xi32>
        %gather3A_750 = tpu.vector_load_idx %arg5[%add3A_749] : memref<16384xf32, #tpu.memory_space<vmem>>[vector<16xi32>], vector<16xf32>,
        %sub3A_751 = arith.subf %gather3A_744, %gather3A_743 : vector<16xf32>
        %lt3A_752 = arith.constant 9.99999974E-6 : f32
        %lt3A_753 = vector.broadcast %lt3A_752 : f32 to vector<16xf32>
        %lt3A_754 = arith.cmpf olt, %sub3A_751, %lt3A_753 : vector<16xf32>
        %jit3A_755 = arith.constant 1.000000e+00 : f32
        %broadcast_in_dim3A_756 = vector.broadcast %jit3A_755 : f32 to vector<16xf32>
        %select_n3A_757 = arith.select %lt3A_754, %broadcast_in_dim3A_756, %sub3A_751 : vector<16xi1>, vector<16xf32>
        %sub3A_758 = arith.subf %mul3A_668, %gather3A_743 : vector<16xf32>
        %div3A_759 = arith.divf %sub3A_758, %select_n3A_757 : vector<16xf32>
        %sub3A_760 = arith.subf %gather3A_750, %gather3A_747 : vector<16xf32>
        %mul3A_761 = arith.mulf %div3A_759, %sub3A_760 : vector<16xf32>
        %add3A_762 = arith.addf %gather3A_747, %mul3A_761 : vector<16xf32>
        %mul3A_763 = arith.constant 64 : i32
        %mul3A_764 = arith.muli %scan3A_28, %mul3A_763 : i32
        %add3A_765 = arith.constant 32 : i32
        %add3A_766 = arith.addi %mul3A_764, %add3A_765 : i32
        %swap3A_767 = arith.index_cast %add3A_766 : i32 to index
        %swap3A_768 = tpu.vector_load %arg7[%swap3A_767] {strides = array<i32>} : memref<8192xf32, #tpu.memory_space<vmem>>, vector<16xf32>,
        tpu.vector_store %arg7[%swap3A_767], %add3A_762 {strides = array<i32>} : memref<8192xf32, #tpu.memory_space<vmem>>, vector<16xf32>,
        %add3A_769 = arith.constant 48 : i32
        %add3A_770 = vector.broadcast %add3A_769 : i32 to vector<16xi32>
        %add3A_771 = arith.addi %iota3A, %add3A_770 : vector<16xi32>
        %convert_element_type3A_772 = arith.sitofp %add3A_771 : vector<16xi32> to vector<16xf32>
        %mul3A_773 = arith.constant 0.0158730168 : f32
        %mul3A_774 = vector.broadcast %mul3A_773 : f32 to vector<16xf32>
        %mul3A_775 = arith.mulf %convert_element_type3A_772, %mul3A_774 : vector<16xf32>
        %broadcast_in_dim3A_776 = arith.constant 0 : i32
        %broadcast_in_dim3A_777 = vector.broadcast %broadcast_in_dim3A_776 : i32 to vector<16xi32>
        %add3A_778 = arith.constant 63 : i32
        %add3A_779 = vector.broadcast %add3A_778 : i32 to vector<16xi32>
        %add3A_780 = arith.addi %broadcast_in_dim3A_777, %add3A_779 : vector<16xi32>
        %gather3A_781 = tpu.vector_load_idx %arg8[%add3A_780] : memref<128xf32, #tpu.memory_space<vmem>>[vector<16xi32>], vector<16xf32>,
        %lt3A_782 = arith.cmpf olt, %gather3A_781, %mul3A_775 : vector<16xf32>
        %add3A_783 = arith.constant 64 : i32
        %add3A_784 = vector.broadcast %add3A_783 : i32 to vector<16xi32>
        %add3A_785 = arith.addi %broadcast_in_dim3A_777, %add3A_784 : vector<16xi32>
        %select_n3A_786 = arith.select %lt3A_782, %add3A_785, %broadcast_in_dim3A_777 : vector<16xi1>, vector<16xi32>
        %add3A_787 = arith.constant 31 : i32
        %add3A_788 = vector.broadcast %add3A_787 : i32 to vector<16xi32>
        %add3A_789 = arith.addi %select_n3A_786, %add3A_788 : vector<16xi32>
        %gather3A_790 = tpu.vector_load_idx %arg8[%add3A_789] : memref<128xf32, #tpu.memory_space<vmem>>[vector<16xi32>], vector<16xf32>,
        %lt3A_791 = arith.cmpf olt, %gather3A_790, %mul3A_775 : vector<16xf32>
        %add3A_792 = arith.constant 32 : i32
        %add3A_793 = vector.broadcast %add3A_792 : i32 to vector<16xi32>
        %add3A_794 = arith.addi %select_n3A_786, %add3A_793 : vector<16xi32>
        %select_n3A_795 = arith.select %lt3A_791, %add3A_794, %select_n3A_786 : vector<16xi1>, vector<16xi32>
        %add3A_796 = arith.constant 15 : i32
        %add3A_797 = vector.broadcast %add3A_796 : i32 to vector<16xi32>
        %add3A_798 = arith.addi %select_n3A_795, %add3A_797 : vector<16xi32>
        %gather3A_799 = tpu.vector_load_idx %arg8[%add3A_798] : memref<128xf32, #tpu.memory_space<vmem>>[vector<16xi32>], vector<16xf32>,
        %lt3A_800 = arith.cmpf olt, %gather3A_799, %mul3A_775 : vector<16xf32>
        %add3A_801 = arith.constant 16 : i32
        %add3A_802 = vector.broadcast %add3A_801 : i32 to vector<16xi32>
        %add3A_803 = arith.addi %select_n3A_795, %add3A_802 : vector<16xi32>
        %select_n3A_804 = arith.select %lt3A_800, %add3A_803, %select_n3A_795 : vector<16xi1>, vector<16xi32>
        %add3A_805 = arith.constant 7 : i32
        %add3A_806 = vector.broadcast %add3A_805 : i32 to vector<16xi32>
        %add3A_807 = arith.addi %select_n3A_804, %add3A_806 : vector<16xi32>
        %gather3A_808 = tpu.vector_load_idx %arg8[%add3A_807] : memref<128xf32, #tpu.memory_space<vmem>>[vector<16xi32>], vector<16xf32>,
        %lt3A_809 = arith.cmpf olt, %gather3A_808, %mul3A_775 : vector<16xf32>
        %add3A_810 = arith.constant 8 : i32
        %add3A_811 = vector.broadcast %add3A_810 : i32 to vector<16xi32>
        %add3A_812 = arith.addi %select_n3A_804, %add3A_811 : vector<16xi32>
        %select_n3A_813 = arith.select %lt3A_809, %add3A_812, %select_n3A_804 : vector<16xi1>, vector<16xi32>
        %add3A_814 = arith.constant 3 : i32
        %add3A_815 = vector.broadcast %add3A_814 : i32 to vector<16xi32>
        %add3A_816 = arith.addi %select_n3A_813, %add3A_815 : vector<16xi32>
        %gather3A_817 = tpu.vector_load_idx %arg8[%add3A_816] : memref<128xf32, #tpu.memory_space<vmem>>[vector<16xi32>], vector<16xf32>,
        %lt3A_818 = arith.cmpf olt, %gather3A_817, %mul3A_775 : vector<16xf32>
        %add3A_819 = arith.constant 4 : i32
        %add3A_820 = vector.broadcast %add3A_819 : i32 to vector<16xi32>
        %add3A_821 = arith.addi %select_n3A_813, %add3A_820 : vector<16xi32>
        %select_n3A_822 = arith.select %lt3A_818, %add3A_821, %select_n3A_813 : vector<16xi1>, vector<16xi32>
        %add3A_823 = arith.constant 1 : i32
        %add3A_824 = vector.broadcast %add3A_823 : i32 to vector<16xi32>
        %add3A_825 = arith.addi %select_n3A_822, %add3A_824 : vector<16xi32>
        %gather3A_826 = tpu.vector_load_idx %arg8[%add3A_825] : memref<128xf32, #tpu.memory_space<vmem>>[vector<16xi32>], vector<16xf32>,
        %lt3A_827 = arith.cmpf olt, %gather3A_826, %mul3A_775 : vector<16xf32>
        %add3A_828 = arith.constant 2 : i32
        %add3A_829 = vector.broadcast %add3A_828 : i32 to vector<16xi32>
        %add3A_830 = arith.addi %select_n3A_822, %add3A_829 : vector<16xi32>
        %select_n3A_831 = arith.select %lt3A_827, %add3A_830, %select_n3A_822 : vector<16xi1>, vector<16xi32>
        %add3A_832 = arith.constant 0 : i32
        %add3A_833 = vector.broadcast %add3A_832 : i32 to vector<16xi32>
        %add3A_834 = arith.addi %select_n3A_831, %add3A_833 : vector<16xi32>
        %gather3A_835 = tpu.vector_load_idx %arg8[%add3A_834] : memref<128xf32, #tpu.memory_space<vmem>>[vector<16xi32>], vector<16xf32>,
        %lt3A_836 = arith.cmpf olt, %gather3A_835, %mul3A_775 : vector<16xf32>
        %add3A_837 = arith.constant 1 : i32
        %add3A_838 = vector.broadcast %add3A_837 : i32 to vector<16xi32>
        %add3A_839 = arith.addi %select_n3A_831, %add3A_838 : vector<16xi32>
        %select_n3A_840 = arith.select %lt3A_836, %add3A_839, %select_n3A_831 : vector<16xi1>, vector<16xi32>
        %sub3A_841 = arith.constant 1 : i32
        %sub3A_842 = vector.broadcast %sub3A_841 : i32 to vector<16xi32>
        %sub3A_843 = arith.subi %select_n3A_840, %sub3A_842 : vector<16xi32>
        %max3A_844 = arith.constant 0 : i32
        %max3A_845 = vector.broadcast %max3A_844 : i32 to vector<16xi32>
        %max3A_846 = arith.maxsi %sub3A_843, %max3A_845 : vector<16xi32>
        %min3A_847 = arith.constant 126 : i32
        %min3A_848 = vector.broadcast %min3A_847 : i32 to vector<16xi32>
        %min3A_849 = arith.minsi %select_n3A_840, %min3A_848 : vector<16xi32>
        %gather3A_850 = tpu.vector_load_idx %arg8[%max3A_846] : memref<128xf32, #tpu.memory_space<vmem>>[vector<16xi32>], vector<16xf32>,
        %gather3A_851 = tpu.vector_load_idx %arg8[%min3A_849] : memref<128xf32, #tpu.memory_space<vmem>>[vector<16xi32>], vector<16xf32>,
        %add3A_852 = vector.broadcast %mul3A_31 : i32 to vector<16xi32>
        %add3A_853 = arith.addi %add3A_852, %max3A_846 : vector<16xi32>
        %gather3A_854 = tpu.vector_load_idx %arg5[%add3A_853] : memref<16384xf32, #tpu.memory_space<vmem>>[vector<16xi32>], vector<16xf32>,
        %add3A_855 = vector.broadcast %mul3A_31 : i32 to vector<16xi32>
        %add3A_856 = arith.addi %add3A_855, %min3A_849 : vector<16xi32>
        %gather3A_857 = tpu.vector_load_idx %arg5[%add3A_856] : memref<16384xf32, #tpu.memory_space<vmem>>[vector<16xi32>], vector<16xf32>,
        %sub3A_858 = arith.subf %gather3A_851, %gather3A_850 : vector<16xf32>
        %lt3A_859 = arith.constant 9.99999974E-6 : f32
        %lt3A_860 = vector.broadcast %lt3A_859 : f32 to vector<16xf32>
        %lt3A_861 = arith.cmpf olt, %sub3A_858, %lt3A_860 : vector<16xf32>
        %jit3A_862 = arith.constant 1.000000e+00 : f32
        %broadcast_in_dim3A_863 = vector.broadcast %jit3A_862 : f32 to vector<16xf32>
        %select_n3A_864 = arith.select %lt3A_861, %broadcast_in_dim3A_863, %sub3A_858 : vector<16xi1>, vector<16xf32>
        %sub3A_865 = arith.subf %mul3A_775, %gather3A_850 : vector<16xf32>
        %div3A_866 = arith.divf %sub3A_865, %select_n3A_864 : vector<16xf32>
        %sub3A_867 = arith.subf %gather3A_857, %gather3A_854 : vector<16xf32>
        %mul3A_868 = arith.mulf %div3A_866, %sub3A_867 : vector<16xf32>
        %add3A_869 = arith.addf %gather3A_854, %mul3A_868 : vector<16xf32>
        %mul3A_870 = arith.constant 64 : i32
        %mul3A_871 = arith.muli %scan3A_28, %mul3A_870 : i32
        %add3A_872 = arith.constant 48 : i32
        %add3A_873 = arith.addi %mul3A_871, %add3A_872 : i32
        %swap3A_874 = arith.index_cast %add3A_873 : i32 to index
        %swap3A_875 = tpu.vector_load %arg7[%swap3A_874] {strides = array<i32>} : memref<8192xf32, #tpu.memory_space<vmem>>, vector<16xf32>,
        tpu.vector_store %arg7[%swap3A_874], %add3A_869 {strides = array<i32>} : memref<8192xf32, #tpu.memory_space<vmem>>, vector<16xf32>,
        %scan3A_876 = arith.constant 0 : i32
        scf.yield %scan3A_876 : i32
      }
      %scan3A_24 = arith.constant 128 : i32
      %mul3A_25 = arith.constant 64 : i32
      %mul3A_26 = arith.muli %add3A_13, %mul3A_25 : i32
      "tpu.region"() ({
        %run_scoped3A = tpu.sem_alloc : memref<!tpu.dma_semaphore, #tpu.memory_space<semaphore_mem>>
        %dma_start3A = tpu.memref_slice %arg4[%mul3A_26] : memref<4194304xf32, #tpu.memory_space<hbm>> -> memref<8192xf32, #tpu.memory_space<hbm>>
        %dma_start3A_28 = tpu.memref_slice %arg4[%mul3A_26] : memref<4194304xf32, #tpu.memory_space<hbm>> -> memref<8192xf32, #tpu.memory_space<hbm>>
        tpu.enqueue_dma source(%arg7 : memref<8192xf32, #tpu.memory_space<vmem>>) target(%dma_start3A_28 : memref<8192xf32, #tpu.memory_space<hbm>>) target_semaphore(%run_scoped3A : memref<!tpu.dma_semaphore, #tpu.memory_space<semaphore_mem>>)
        %dma_wait3A = tpu.memref_slice %arg4[%mul3A_26] : memref<4194304xf32, #tpu.memory_space<hbm>> -> memref<8192xf32, #tpu.memory_space<hbm>>
        %dma_wait3A_29 = tpu.memref_slice %arg4[%mul3A_26] : memref<4194304xf32, #tpu.memory_space<hbm>> -> memref<8192xf32, #tpu.memory_space<hbm>>
        tpu.wait_dma2 semaphore(%run_scoped3A : memref<!tpu.dma_semaphore, #tpu.memory_space<semaphore_mem>>) src(%arg7 : memref<8192xf32, #tpu.memory_space<vmem>>) dst(%dma_wait3A_29 : memref<8192xf32, #tpu.memory_space<hbm>>)
        tpu.yield
      }) : () -> ()
      %scan3A_27 = arith.constant 0 : i32
      scf.yield %scan3A_27 : i32
    }
    %scan3A_6 = arith.constant 16 : i32
    return
  }
}

</mosaic_0001>

<sc_bundles>
// kernel: kernel.3.cloned.1.call-start
scs
__scs_entry_jumppad:
0x0: {  	(pc) =	sbr.rel $0x88, $3  }
0x1: {  	(tag) =	ssettag $0x0;
	lr =	simm.s32 $0x1  }
0x2: {  	[smem:$0x3F9F] =	sst lr;
	_ =	strace $0xD0000000  }
0x3: {  	_ = 	snop  }
0x4: {  	_ = 	snop  }
0x5: {  	_ = 	snop  }
0x6: {  	_ = 	snop  }
0x7: {  	_ = 	snop  }
__scs_overlays_trampoline_lowered:
0x8: {  	[smem:$0x3FAE] =	sst s0  }
0x9: {  	[smem:$0x3FAF] =	sst s1  }
0xa: {  	[smem:$0x3FB0] =	sst s2  }
0xb: {  	[smem:$0x3FB1] =	sst s3  }
0xc: {  	[smem:$0x3FB2] =	sst s4  }
0xd: {  	[smem:$0x3FB3] =	sst s5  }
0xe: {  	[smem:$0x3FB4] =	sst s6  }
0xf: {  	[smem:$0x3FB5] =	sst s7  }
0x10: {  	[smem:$0x3FB6] =	sst s8  }
0x11: {  	[smem:$0x3FB7] =	sst s9;
	s0 =	simm.s32 @!p0 $0x0  }
0x12: {  	s1 =	sld [smem:$0x3F9D];
	s0 =	simm.s32 @p0 $0x1  }
0x13: {  	[smem:$0x3FB8] =	sst s0;
	s0 =	simm.s32 @!p1 $0x0  }
0x14: {  	s2 =	sld [smem:$0x3F9C];
	s0 =	simm.s32 @p1 $0x1  }
0x15: {  	[smem:$0x3FB9] =	sst s0;
	s0 =	simm.s32 @!p2 $0x0  }
0x16: {  	s3 =	sld [smem:$0x3FDB];
	s0 =	simm.s32 @p2 $0x1  }
0x17: {  	s4 =	simm.s32 $0x1BF5;
	[smem:$0x3FBB] =	sst s0  }
0x18: {  	s0 =	sld [smem:$0x3F9E];
	_ =	swait.ge [sflag:s4], $0x0  }
0x19: {  	s7 =	sld [smem:$0x3F9F]  }
0x1a: {  	s8 =	sadd.s32 $0xFFFFE003, lr  }
0x1b: {  	s9 =	sadd.s32 $0xFFFFFEF7, lr;
	s5 =	simm.s32 $0xFFFFFFFF;
	p2 =	slt.u32 s8, $0xFFFFF086  }
0x1c: {  	p1 =	slt.u32 s9, $0xF7A;
	s5 =	simm.s32 @!p2 $0x0  }
0x1d: {  	s5 =	simm.s32 @p1 $0x1;
	p0 =	seq.s32 s7, s2  }
0x1e: {  	s7 =	smul.u32 @!p0 $0xF7A, s2;
	p2 =	seq.s32 @!p0 s5, $0x0  }
0x1f: {  	s9 =	smul.u32 $0xF7A, s1;
	s8 =	simm.s32 @!p0 $0x1BF5;
	p2 =	por !p2, p0  }
0x20: {  	[sflag:s8] =	ssyncset.s32 @!p0 $0xFFFFF086;
	s6 =	sadd.s32 @!p0 s3, s7;
	s7 =	simm.s32 @!p0 $0x108  }
0x21: {  	s3 =	sadd.s32 s3, s9;
	s6 =	sadd.s32 @!p0 $0x88, s6;
	s7 =	simm.s32 @p2 $0x1082  }
0x22: {  	[simem:s7], [sflag:s8] =	dma.local @!p0 [hbm:s6], $0xF7A  }
0x23: {  	s9 =	sor.u32 $0xD0000000, s2;
	s6 =	simm.s32 $0x108;
	_ =	swait.ge @!p0 [sflag:s8], $0x0  }
0x24: {  	s3 =	sadd.s32 $0x88, s3;
	s6 =	simm.s32 @!p1 $0x1082;
	[sflag:s4] =	ssyncset.s32 $0xFFFFF086  }
0x25: {  	[simem:s6], [sflag:s4] =	dma.local [hbm:s3], $0xF7A  }
0x26: {  	[smem:$0x3F9F] =	sst s1;
	(tag) =	ssettag s2;
	_ =	strace s9  }
0x27: {  	s1 =	sld [smem:$0x3FAF]  }
0x28: {  	s2 =	sld [smem:$0x3FB0]  }
0x29: {  	s4 =	sld [smem:$0x3FB2]  }
0x2a: {  	p0 =	seq.s32 s5, $0x0;
	s5 =	sld [smem:$0x3FB3]  }
0x2b: {  	s6 =	sld [smem:$0x3FB4]  }
0x2c: {  	s7 =	sld [smem:$0x3FB5]  }
0x2d: {  	s3 =	simm.s32 $0x108;
	s8 =	sld [smem:$0x3FB6]  }
0x2e: {  	s3 =	simm.s32 @!p0 $0x1082;
	s9 =	sld [smem:$0x3FB7]  }
0x2f: {  	lr =	sadd.s32 s0, s3;
	s0 =	sld [smem:$0x3FAE]  }
0x30: {  	s3 =	sld [smem:$0x3FB1]  }
0x31: {  	[smem:$0x3FBA] =	sst s10  }
0x32: {  	s10 =	sld [smem:$0x3FB8];
	_ =	sdelay $0x3  }
0x33: {  	p0 =	seq.s32 s10, $0x1;
	s10 =	sld [smem:$0x3FBA];
	_ =	sdelay $0x3  }
0x34: {  	[smem:$0x3FBA] =	sst s10  }
0x35: {  	s10 =	sld [smem:$0x3FB9];
	_ =	sdelay $0x3  }
0x36: {  	p1 =	seq.s32 s10, $0x1;
	s10 =	sld [smem:$0x3FBA];
	_ =	sdelay $0x3  }
0x37: {  	[smem:$0x3FBA] =	sst s10  }
0x38: {  	s10 =	sld [smem:$0x3FBB]  }
0x39: {  	_ = 	snop;
	(pc) =	sbr.ind lr, $3  }
0x3a: {  	_ = 	snop  }
0x3b: {  	_ = 	snop  }
0x3c: {  	p2 =	seq.s32 s10, $0x1;
	s10 =	sld [smem:$0x3FBA]  }
0x3d: {  	_ =	shalt  }
0x3e: {  	_ =	shalt  }
0x3f: {  	_ =	shalt  }
0x40: {  	_ =	shalt  }
0x41: {  	_ =	shalt  }
0x42: {  	_ =	shalt  }
0x43: {  	_ =	shalt  }
0x44: {  	_ =	shalt  }
0x45: {  	_ =	shalt  }
0x46: {  	_ =	shalt  }
0x47: {  	_ =	shalt  }
0x48: {  	_ =	shalt  }
0x49: {  	_ =	shalt  }
0x4a: {  	_ =	shalt  }
0x4b: {  	_ =	shalt  }
0x4c: {  	_ =	shalt  }
0x4d: {  	_ =	shalt  }
0x4e: {  	_ =	shalt  }
0x4f: {  	_ =	shalt  }
0x50: {  	_ =	shalt  }
0x51: {  	_ =	shalt  }
0x52: {  	_ =	shalt  }
0x53: {  	_ =	shalt  }
0x54: {  	_ =	shalt  }
0x55: {  	_ =	shalt  }
0x56: {  	_ =	shalt  }
0x57: {  	_ =	shalt  }
0x58: {  	_ =	shalt  }
0x59: {  	_ =	shalt  }
0x5a: {  	_ =	shalt  }
0x5b: {  	_ =	shalt  }
0x5c: {  	_ =	shalt  }
0x5d: {  	_ =	shalt  }
0x5e: {  	_ =	shalt  }
0x5f: {  	_ =	shalt  }
0x60: {  	_ =	shalt  }
0x61: {  	_ =	shalt  }
0x62: {  	_ =	shalt  }
0x63: {  	_ =	shalt  }
0x64: {  	_ =	shalt  }
0x65: {  	_ =	shalt  }
0x66: {  	_ =	shalt  }
0x67: {  	_ =	shalt  }
0x68: {  	_ =	shalt  }
0x69: {  	_ =	shalt  }
0x6a: {  	_ =	shalt  }
0x6b: {  	_ =	shalt  }
0x6c: {  	_ =	shalt  }
0x6d: {  	_ =	shalt  }
0x6e: {  	_ =	shalt  }
0x6f: {  	_ =	shalt  }
0x70: {  	_ =	shalt  }
0x71: {  	_ =	shalt  }
0x72: {  	_ =	shalt  }
0x73: {  	_ =	shalt  }
0x74: {  	_ =	shalt  }
0x75: {  	_ =	shalt  }
0x76: {  	_ =	shalt  }
0x77: {  	_ =	shalt  }
0x78: {  	_ =	shalt  }
0x79: {  	_ =	shalt  }
0x7a: {  	_ =	shalt  }
0x7b: {  	_ =	shalt  }
0x7c: {  	_ =	shalt  }
0x7d: {  	_ =	shalt  }
0x7e: {  	_ =	shalt  }
0x7f: {  	_ =	shalt  }
0x80: {  	_ =	shalt  }
0x81: {  	_ =	shalt  }
0x82: {  	_ =	shalt  }
0x83: {  	_ =	shalt  }
0x84: {  	_ =	shalt  }
0x85: {  	_ =	shalt  }
0x86: {  	_ =	shalt  }
0x87: {  	_ =	shalt  }
.Lfunc_end0:
.L_simem_size_0:
called_computation_lowered:
.L_overlay_start_0:
0x88: {  	s2 =	sld [smem:$0x3FD9]  }
0x89: {  	s3 =	sld [smem:$0x3FFE];
	_ =	sdelay $0x1  }
0x8a: {  	s1 =	srdreg.scid  }
0x8b: {  	s0 =	sand.u32 $0x1, s1  }
0x8c: {  	s18 =	sshll.u32 s0, $0xA;
	s2 =	sadd.s32 s3, s2  }
0x8d: {  	s2 =	sadd.s32 s2, s18  }
0x8e: {  	[smem:$0x3FC6] =	sst s2  }
0x8f: {  	_ = 	snop  }
0x90: {  	s2 =	sld [smem:$0x3FC9]  }
0x91: {  	s19 =	sld [smem:$0x3FC8]  }
0x92: {  	s4 =	sld [smem:$0x3FD0];
	(tm) =	ssettm $0x1  }
0x93: {  	s5 =	sld [smem:$0x3FFB];
	_ =	sdelay $0x3  }
0x94: {  	_ =	strace s5  }
0x95: {  	s5 =	sld [smem:$0x3FFC];
	_ =	sdelay $0x3  }
0x96: {  	_ =	strace s5  }
0x97: {  	s5 =	sld [smem:$0x3FFD];
	_ =	sdelay $0x3  }
0x98: {  	_ =	strace s5  }
0x99: {  	_ =	strace $0x8FFFFFFF  }
0x9a: {  	s20 =	sld [smem:$0x3FDB];
	_ =	sdelay $0x1  }
0x9b: {  	s6 =	simm.s32 $_scs_section_size  }
0x9c: {  	s7 =	simm.s32 $_size__tile_overlayer_lowered;
	s8 =	simm.s32 $_tile_overlayer_lowered  }
0x9d: {  	s23 =	simm.s32 $0x1BFF;
	s22 =	sshll.u32 s8, $0x1;
	s5 =	sadd.s32 s6, s20  }
0x9e: {  	s9 =	simm.s32 $0x0;
	s21 =	sshll.u32 s7, $0x1;
	s7 =	sadd.s32 s22, s5  }
0x9f: {  	[timem:s9], [sflag:s23] =	dma.local [hbm:s7], s21  }
0xa0: {  	_ =	swait.ge [sflag:s23], s21  }
0xa1: {  	s6 =	ssub.s32 $0x0, s21;
	[sflag:s23] =	ssyncset.done $0x0  }
0xa2: {  	[sflag:s23] =	ssyncadd.s32 s6;
	_ =	sdelay $0x1  }
0xa3: {  	s24 =	simm.s32 $0x1B8B  }
0xa4: {  	_ =	swait.ge [sflag:s24], $0x1  }
0xa5: {  	[sflag:s24] =	ssyncset.done $0x0  }
0xa6: {  	s25 =	simm.s32 $0x1B8E;
	[sflag:s24] =	ssyncadd.s32 $0xFFFFFFFF  }
0xa7: {  	s26 =	simm.s32 $execute0_lowered;
	[smem:$0x3FD2] =	sst s25  }
0xa8: {  	s6 =	sshll.u32 s26, $0x1;
	_ =	strace $0x80000046;
	[dreg:$0x1] =	wrdreg $0xFFFFFFFF  }
0xa9: {  	s28 =	simm.s32 $_size_execute0_lowered;
	s5 =	sadd.s32 s5, s6;
	[dreg:$0x0] =	wrdreg $0x0  }
0xaa: {  	s6 =	sshll.u32 s28, $0x1;
	[dreg:$0x2] =	wrdreg s5  }
0xab: {  	[dreg:$0x3] =	wrdreg s6  }
0xac: {  	[dreg:$0x4] =	wrdreg $0xC0  }
0xad: {  	_ =	task [dreg:s9], $0x5FFFF  }
0xae: {  	[dreg:$0x1] =	wrdreg $0xFFFFFFFF  }
0xaf: {  	[dreg:$0x0] =	wrdreg $0x60  }
0xb0: {  	[dreg:$0x2] =	wrdreg s2  }
0xb1: {  	[dreg:$0x3] =	wrdreg s19  }
0xb2: {  	[dreg:$0x4] =	wrdreg s4  }
0xb3: {  	[dreg:$0x5] =	wrdreg $0x9  }
0xb4: {  	_ =	task.clear_ibuf [dreg:s9], $0x6FFFF;
	_ =	strace $0x90000046  }
0xb5: {  	s29 =	simm.s32 $0x9;
	_ =	strace $0x80000048  }
0xb6: {  	_ =	swait.ge [sflag:s29], $0x1  }
0xb7: {  	[sflag:s29] =	ssyncadd.s32 $0xFFFFFFFF  }
0xb8: {  	_ =	strace $0x90000048  }
0xb9: {  	_ =	sfence  }
0xba: {  	s30 =	sld [smem:$0x0];
	_ =	sdelay $0x2  }
0xbb: {  	s31 =	sshll.u32 s1, $0xD;
	s1 =	sshrl.u32 s1, $0x2  }
0xbc: {  	s3 =	sand.u32 $0x4000, s31;
	s1 =	sadd.s32 s1, s30  }
0xbd: {  	s0 =	sor.u32 s3, s0;
	s1 =	sshll.u32 s1, $0x11  }
0xbe: {  	s0 =	sor.u32 s1, s0  }
0xbf: {  	s0 =	sadd.s32 $0x8F2B, s0  }
0xc0: {  	[sflag:s0] =	ssyncadd.remote.s32 $0x1  }
0xc1: {  	_ =	sfence.sel $0xFFFF  }
0xc2: {  	[dreg:$0x0] =	wrdreg $0xFFFFFFFF;
	(pc) =	sbr.abs _section_cstart, $3  }
0xc3: {  	[dreg:$0x1] =	wrdreg $0xFFFFFFFF  }
0xc4: {  	_ =	task.clear_ibuf [dreg:s9], $0x2FFFF;
	_ =	strace $0x9FFFFFFF  }
0xc5: {  	(tm) =	ssettm $0x7FFFFFFF  }
tec
execute0_lowered:
.L_overlay_start_1:
0x0: {  	(tag) =	ssettag $0x1  }
0x1: {  	v6 =	vlaneseq.u32;
	v7 =	vimm.f32 $2.380952540e-01;
	vm0 =	vcmask $0x300  }
0x2: {  	vm1 =	vcmask $0x704;
	v8 =	vimm.s32 $0x7C7B7A79;
	vm2 =	vcmask $0xB08  }
0x3: {  	vm3 =	vcmask $0xF0C;
	v9 =	vimm.s32 $0x7F7F7E7D;
	vm4 =	vcmask $0x1310  }
0x4: {  	vm5 =	vcmask $0x1714;
	vm9 =	vcmask $0x1F10;
	vm6 =	vcmask $0x1B18  }
0x5: {  	v10 =	vimm.s32 $0x74737271;
	vm7 =	vcmask $0x1F1C;
	vm8 =	vcmask $0x2320  }
0x6: {  	v11 =	vimm.s32 $0x78777675;
	vm10 =	vcmask $0x2724;
	vm11 =	vcmask $0x2B28  }
0x7: {  	vm12 =	vcmask $0x2F2C;
	vm13 =	vcmask $0x3330;
	vm14 =	vcmask $0x3B38  }
0x8: {  	v12 =	vimm.f32 $7.460317610e-01;
	v13 =	vimm.f32 $1.000000000e+00;
	v0 =	vadd.s32 $0x1, v6  }
0x9: {  	v1 =	vadd.s32 $0x11, v6;
	v2 =	vadd.s32 $0x21, v6;
	v3 =	vadd.s32 $0x31, v6  }
0xa: {  	v4 =	vadd.s32 $0x41, v6;
	v5 =	vadd.s32 $0x51, v6;
	v6 =	vadd.s32 $0x61, v6  }
0xb: {  	v7 =	vsel vm0, $0x0, v7;
	v8 =	vunpack.c.0.s8.s32 v8;
	v9 =	vunpack.c.0.s8.s32 v9  }
0xc: {  	v10 =	vunpack.c.0.s8.s32 v10;
	v11 =	vunpack.c.0.s8.s32 v11;
	v12 =	vsel vm0, $0x3F020821, v12  }
0xd: {  	v13 =	vsel vm0, $0x3F430C32, v13;
	v7 =	vsel vm1, $0x3C820821, v7;
	v12 =	vsel vm1, $0x3F061862, v12  }
0xe: {  	s4 =	simm.s32 $0x0;
	v13 =	vsel vm1, $0x3F471C73, v13;
	v7 =	vsel vm2, $0x3D020821, v7;
	v8 =	vsel vm9, v9, v8  }
0xf: {  	[smem:$0x7FF] =	sst s4;
	v9 =	vsel vm9, v11, v10;
	vm9 =	vcmask $0x3734;
	v11 =	vimm.f32 $4.920635220e-01  }
0x10: {  	v12 =	vsel vm2, $0x3F0A28A3, v12;
	v13 =	vsel vm2, $0x3F4B2CB4, v13;
	v7 =	vsel vm3, $0x3D430C32, v7  }
0x11: {  	v11 =	vsel vm0, $0x3E820821, v11;
	v12 =	vsel vm3, $0x3F0E38E4, v12;
	v13 =	vsel vm3, $0x3F4F3CF5, v13  }
0x12: {  	v7 =	vsel vm4, $0x3D820821, v7;
	v11 =	vsel vm1, $0x3E8A28A3, v11;
	v12 =	vsel vm4, $0x3F124925, v12  }
0x13: {  	v13 =	vsel vm4, $0x3F534D36, v13;
	v7 =	vsel vm5, $0x3DA28A29, v7;
	v11 =	vsel vm2, $0x3E924925, v11  }
0x14: {  	v12 =	vsel vm5, $0x3F165966, v12;
	v13 =	vsel vm5, $0x3F575D77, v13;
	v7 =	vsel vm6, $0x3DC30C32, v7  }
0x15: {  	v11 =	vsel vm3, $0x3E9A69A7, v11;
	v12 =	vsel vm6, $0x3F1A69A7, v12;
	v13 =	vsel vm6, $0x3F5B6DB8, v13  }
0x16: {  	v7 =	vsel vm7, $0x3DE38E3A, v7;
	v11 =	vsel vm4, $0x3EA28A29, v11;
	v12 =	vsel vm7, $0x3F1E79E8, v12  }
0x17: {  	s0 =	rddreg [dreg:$0x0];
	v13 =	vsel vm7, $0x3F5F7DF9, v13;
	v7 =	vsel vm8, $0x3E020821, v7;
	v11 =	vsel vm5, $0x3EAAAAAB, v11  }
0x18: {  	s1 =	rddreg [dreg:$0x1];
	v12 =	vsel vm8, $0x3F228A29, v12;
	v13 =	vsel vm8, $0x3F638E3A, v13;
	v7 =	vsel vm10, $0x3E124925, v7  }
0x19: {  	s3 =	rddreg [dreg:$0x2];
	v11 =	vsel vm6, $0x3EB2CB2D, v11;
	v12 =	vsel vm10, $0x3F269A6A, v12;
	v13 =	vsel vm10, $0x3F679E7B, v13  }
0x1a: {  	s2 =	rddreg [dreg:$0x3];
	v7 =	vsel vm11, $0x3E228A29, v7;
	v11 =	vsel vm7, $0x3EBAEBAF, v11;
	v12 =	vsel vm11, $0x3F2AAAAB, v12  }
0x1b: {  	s5 =	stileid.u32;
	s11 =	simm.s32 $0x8000;
	_ =	strace $0x80000047;
	v13 =	vsel vm11, $0x3F6BAEBC, v13;
	v10 =	vsel vm12, $0x3E32CB2D, v7;
	v7 =	vcombine.low v9, v8  }
0x1c: {  	s6 =	srdreg.scid;
	s8 =	sshll.u32 s5, $0xC;
	v8 =	vimm.s32 $0x3F;
	v11 =	vsel vm8, $0x3EC30C32, v11;
	v12 =	vsel vm12, $0x3F2EBAEC, v12  }
0x1d: {  	s7 =	sand.u32 $0x1, s6;
	v13 =	vsel vm12, $0x3F6FBEFD, v13;
	v9 =	vsel vm13, $0x3E430C32, v10;
	v11 =	vsel vm10, $0x3ECB2CB4, v11  }
0x1e: {  	s6 =	simm.s32 $0x4000;
	s9 =	sshll.u32 s7, $0xB;
	s7 =	ssub.s32 $0x2, s7;
	v10 =	vimm.s32 $0x0;
	v12 =	vsel vm13, $0x3F32CB2D, v12;
	v11 =	vsel vm11, $0x3ED34D36, v11  }
0x1f: {  	s10 =	sshrl.u32 s7, $0x1;
	v13 =	vsel vm13, $0x3F73CF3E, v13;
	v9 =	vsel vm9, $0x3E534D36, v9;
	v11 =	vsel vm12, $0x3EDB6DB8, v11  }
0x20: {  	s10 =	ssub.s32 s7, s10;
	v14 =	vsel vm9, $0x3F36DB6E, v12;
	v15 =	vsel vm9, $0x3F77DF7F, v13;
	v11 =	vsel vm13, $0x3EE38E3A, v11  }
0x21: {  	s7 =	sor.u32 s9, s8;
	s8 =	smax.u32 s10, $0x1;
	s10 =	simm.s32 $0xA000;
	v12 =	vimm.s32 $0x1;
	v9 =	vsel vm14, $0x3E638E3A, v9;
	v11 =	vsel vm9, $0x3EEBAEBC, v11  }
0x22: {  	s12 =	simm.s32 $0x0;
	s9 =	simm.s32 $0x1;
	v13 =	vsel vm14, $0x3F3AEBAF, v14;
	v14 =	vsel vm14, $0x3F7BEFC0, v15;
	v11 =	vsel vm14, $0x3EF3CF3E, v11  }
.LBB2_1:
0x23: {  	s13 =	simm.s32 $0x0  }
.LBB2_2:
0x24: {  	s14 =	sshll.u32 s13, $0x7  }
0x25: {  	s14 =	sadd.s32 s7, s14  }
0x26: {  	s16 =	sshll.u32 s14, $0x4  }
0x27: {  	s15 =	simm.s32 $0x0;
	s17 =	sadd.s32 s0, s16  }
0x28: {  	[tilespmem:s15], [sflag:$0x1] =	stream.linear.gather [hbm4b:s17+s15], $0x4000, $0x38;
	[tilespmem:$0xA080] =	vst v63  }
0x29: {  	_ =	swait.ge [sflag:s9], $0x4000  }
0x2a: {  	[sflag:s9] =	ssyncset.done $0x0  }
0x2b: {  	s16 =	sadd.s32 s1, s16;
	[sflag:s9] =	ssyncadd.s32 $0xFFFFC000  }
0x2c: {  	[tilespmem:s6], [sflag:$0x1] =	stream.linear.gather [hbm4b:s16+s15], $0x4000, $0x38;
	[tilespmem:$0xA080] =	vst v63  }
0x2d: {  	_ =	swait.ge [sflag:s9], $0x4000  }
0x2e: {  	s18 =	simm.s32 $0x40;
	[sflag:s9] =	ssyncset.done $0x0  }
0x2f: {  	s17 =	simm.s32 $0x4040;
	s16 =	simm.s32 $0x8020;
	[sflag:s9] =	ssyncadd.s32 $0xFFFFC000  }
.LBB2_3:
0x30: {  	v15 =	vld [tilespmem:s17+$0xFFFFFFC0];
	_ =	sdelay $0x4  }
0x31: {  	v16 =	vand.u32 $0x7FFFFFFF, v15  }
0x32: {  	v16 =	vmul.f32 $-1.000000000e+01, v16;
	_ =	sdelay $0x1  }
0x33: {  	v16 =	vmul.f32 $1.442695020e+00, v16;
	_ =	sdelay $0x1  }
0x34: {  	(erf) = vpow2.f32 v16;
	_ =	sdelay $0x2  }
0x35: {  	v31 =	vor.u32 s15, v0;
	_ =	sdelay $0x3  }
0x36: {  	v17 =	vld [tilespmem:s18+$0xFFFFFFC0]  }
0x37: {  	v16 =	vld.idx.msk [tilespmem:v31+s4+$0x0], $0xffff  }
0x38: {  	v18 =	vpop (erf)  }
0x39: {  	v18 =	vmul.f32 $5.000000000e+00, v18;
	_ =	sdelay $0x1  }
0x3a: {  	v19 =	vsub.f32 $1.000000000e+01, v18  }
0x3b: {  	vm0 =	vge.f32 v15, $0.0e+00;
	v15 =	vsub.f32 v16, v17  }
0x3c: {  	v32 =	vsel vm0, v18, v19  }
0x3d: {  	v15 =	vmul.f32 v32, v15;
	_ =	sdelay $0x1  }
0x3e: {  	(xrf2) =	vadd.scan.msk.f32 $0xffff, v15;
	_ =	sdelay $0x9  }
0x3f: {  	v33, _, _ =	vpop (xrf2)  }
0x40: {  	v15 =	vsub.f32 v33, v15;
	_ =	sdelay $0x1  }
0x41: {  	v15 =	vadd.f32 $0.0e+00, v15;
	_ =	sdelay $0x1  }
0x42: {  	v15 =	vsub.f32 $0.0e+00, v15;
	_ =	sdelay $0x1  }
0x43: {  	v15 =	vmul.f32 $1.442695020e+00, v15;
	_ =	sdelay $0x1  }
0x44: {  	(erf) = vpow2.f32 v15;
	_ =	sdelay $0x8  }
0x45: {  	v15 =	vpop (erf)  }
0x46: {  	v15 =	vsub.f32 $1.000000000e+00, v15;
	_ =	sdelay $0x1  }
0x47: {  	[tilespmem:$0xA000] =	vst v15  }
0x48: {  	v15 =	vld [tilespmem:s17+$0xFFFFFFD0];
	_ =	sdelay $0x4  }
0x49: {  	v34 =	vand.u32 $0x7FFFFFFF, v15  }
0x4a: {  	v17 =	vmul.f32 $-1.000000000e+01, v34;
	_ =	sdelay $0x1  }
0x4b: {  	v17 =	vmul.f32 $1.442695020e+00, v17;
	_ =	sdelay $0x1  }
0x4c: {  	(erf) = vpow2.f32 v17;
	_ =	sdelay $0x2  }
0x4d: {  	v35 =	vor.u32 s15, v1;
	_ =	sdelay $0x3  }
0x4e: {  	v36 =	vld [tilespmem:s18+$0xFFFFFFD0]  }
0x4f: {  	v17 =	vld.idx.msk [tilespmem:v35+s4+$0x0], $0xffff  }
0x50: {  	v37 =	vpop (erf)  }
0x51: {  	v19 =	vmul.f32 $5.000000000e+00, v37;
	_ =	sdelay $0x1  }
0x52: {  	(v2sf) =	vpush v33, $0xF;
	v38 =	vsub.f32 $1.000000000e+01, v19  }
0x53: {  	vm13 =	vge.f32 v15, $0.0e+00;
	v15 =	vsub.f32 v17, v36  }
0x54: {  	v16 =	vsel vm13, v19, v38  }
0x55: {  	v15 =	vmul.f32 v16, v15;
	_ =	sdelay $0x1  }
0x56: {  	(xrf2) =	vadd.scan.msk.f32 $0xffff, v15;
	_ =	sdelay $0x9  }
0x57: {  	s19 =	spop (v2sf);
	v39, _, _ =	vpop (xrf2)  }
0x58: {  	s19 =	sadd.f32 $0.0e+00, s19;
	v15 =	vsub.f32 v39, v15;
	_ =	sdelay $0x1  }
0x59: {  	v15 =	vadd.f32 s19, v15;
	_ =	sdelay $0x1  }
0x5a: {  	v15 =	vsub.f32 $0.0e+00, v15;
	_ =	sdelay $0x1  }
0x5b: {  	v15 =	vmul.f32 $1.442695020e+00, v15;
	_ =	sdelay $0x1  }
0x5c: {  	(erf) = vpow2.f32 v15;
	_ =	sdelay $0x8  }
0x5d: {  	v15 =	vpop (erf)  }
0x5e: {  	v15 =	vsub.f32 $1.000000000e+00, v15;
	_ =	sdelay $0x1  }
0x5f: {  	[tilespmem:$0xA010] =	vst v15  }
0x60: {  	v15 =	vld [tilespmem:s17+$0xFFFFFFE0];
	_ =	sdelay $0x4  }
0x61: {  	v40 =	vand.u32 $0x7FFFFFFF, v15  }
0x62: {  	v17 =	vmul.f32 $-1.000000000e+01, v40;
	_ =	sdelay $0x1  }
0x63: {  	v17 =	vmul.f32 $1.442695020e+00, v17;
	_ =	sdelay $0x1  }
0x64: {  	(erf) = vpow2.f32 v17;
	_ =	sdelay $0x2  }
0x65: {  	v41 =	vor.u32 s15, v2;
	_ =	sdelay $0x3  }
0x66: {  	v42 =	vld [tilespmem:s18+$0xFFFFFFE0]  }
0x67: {  	v17 =	vld.idx.msk [tilespmem:v41+s4+$0x0], $0xffff  }
0x68: {  	v43 =	vpop (erf)  }
0x69: {  	v19 =	vmul.f32 $5.000000000e+00, v43;
	_ =	sdelay $0x1  }
0x6a: {  	(v2sf) =	vpush v39, $0xF;
	v44 =	vsub.f32 $1.000000000e+01, v19  }
0x6b: {  	vm14 =	vge.f32 v15, $0.0e+00;
	v15 =	vsub.f32 v17, v42  }
0x6c: {  	v16 =	vsel vm14, v19, v44  }
0x6d: {  	v15 =	vmul.f32 v16, v15;
	_ =	sdelay $0x1  }
0x6e: {  	(xrf2) =	vadd.scan.msk.f32 $0xffff, v15;
	_ =	sdelay $0x9  }
0x6f: {  	s20 =	spop (v2sf);
	v45, _, _ =	vpop (xrf2)  }
0x70: {  	s19 =	sadd.f32 s20, s19;
	v15 =	vsub.f32 v45, v15;
	_ =	sdelay $0x1  }
0x71: {  	v15 =	vadd.f32 s19, v15;
	_ =	sdelay $0x1  }
0x72: {  	v15 =	vsub.f32 $0.0e+00, v15;
	_ =	sdelay $0x1  }
0x73: {  	v15 =	vmul.f32 $1.442695020e+00, v15;
	_ =	sdelay $0x1  }
0x74: {  	(erf) = vpow2.f32 v15;
	_ =	sdelay $0x8  }
0x75: {  	v15 =	vpop (erf)  }
0x76: {  	v15 =	vsub.f32 $1.000000000e+00, v15;
	_ =	sdelay $0x1  }
0x77: {  	[tilespmem:$0xA020] =	vst v15  }
0x78: {  	v15 =	vld [tilespmem:s17+$0xFFFFFFF0];
	_ =	sdelay $0x4  }
0x79: {  	v46 =	vand.u32 $0x7FFFFFFF, v15  }
0x7a: {  	v17 =	vmul.f32 $-1.000000000e+01, v46;
	_ =	sdelay $0x1  }
0x7b: {  	v17 =	vmul.f32 $1.442695020e+00, v17;
	_ =	sdelay $0x1  }
0x7c: {  	(erf) = vpow2.f32 v17;
	_ =	sdelay $0x2  }
0x7d: {  	v47 =	vor.u32 s15, v3;
	_ =	sdelay $0x3  }
0x7e: {  	v48 =	vld [tilespmem:s18+$0xFFFFFFF0]  }
0x7f: {  	v17 =	vld.idx.msk [tilespmem:v47+s4+$0x0], $0xffff  }
0x80: {  	v49 =	vpop (erf)  }
0x81: {  	v19 =	vmul.f32 $5.000000000e+00, v49;
	_ =	sdelay $0x1  }
0x82: {  	(v2sf) =	vpush v45, $0xF;
	v50 =	vsub.f32 $1.000000000e+01, v19  }
0x83: {  	vm15 =	vge.f32 v15, $0.0e+00;
	v15 =	vsub.f32 v17, v48  }
0x84: {  	v16 =	vsel vm15, v19, v50  }
0x85: {  	v15 =	vmul.f32 v16, v15;
	_ =	sdelay $0x1  }
0x86: {  	(xrf2) =	vadd.scan.msk.f32 $0xffff, v15;
	_ =	sdelay $0x9  }
0x87: {  	s26 =	spop (v2sf);
	v51, _, _ =	vpop (xrf2)  }
0x88: {  	s19 =	sadd.f32 s26, s19;
	v15 =	vsub.f32 v51, v15;
	_ =	sdelay $0x1  }
0x89: {  	v15 =	vadd.f32 s19, v15;
	_ =	sdelay $0x1  }
0x8a: {  	v15 =	vsub.f32 $0.0e+00, v15;
	_ =	sdelay $0x1  }
0x8b: {  	v15 =	vmul.f32 $1.442695020e+00, v15;
	_ =	sdelay $0x1  }
0x8c: {  	(erf) = vpow2.f32 v15;
	_ =	sdelay $0x8  }
0x8d: {  	v15 =	vpop (erf)  }
0x8e: {  	v15 =	vsub.f32 $1.000000000e+00, v15;
	_ =	sdelay $0x1  }
0x8f: {  	[tilespmem:$0xA030] =	vst v15  }
0x90: {  	v15 =	vld [tilespmem:s17+$0x0];
	_ =	sdelay $0x4  }
0x91: {  	v52 =	vand.u32 $0x7FFFFFFF, v15  }
0x92: {  	v17 =	vmul.f32 $-1.000000000e+01, v52;
	_ =	sdelay $0x1  }
0x93: {  	v17 =	vmul.f32 $1.442695020e+00, v17;
	_ =	sdelay $0x1  }
0x94: {  	(erf) = vpow2.f32 v17;
	_ =	sdelay $0x2  }
0x95: {  	v53 =	vor.u32 s15, v4;
	_ =	sdelay $0x3  }
0x96: {  	v54 =	vld [tilespmem:s18+$0x0]  }
0x97: {  	v17 =	vld.idx.msk [tilespmem:v53+s4+$0x0], $0xffff  }
0x98: {  	v55 =	vpop (erf)  }
0x99: {  	v19 =	vmul.f32 $5.000000000e+00, v55;
	_ =	sdelay $0x1  }
0x9a: {  	(v2sf) =	vpush v51, $0xF;
	v56 =	vsub.f32 $1.000000000e+01, v19  }
0x9b: {  	vm4 =	vge.f32 v15, $0.0e+00;
	v15 =	vsub.f32 v17, v54  }
0x9c: {  	v16 =	vsel vm4, v19, v56  }
0x9d: {  	v15 =	vmul.f32 v16, v15;
	_ =	sdelay $0x1  }
0x9e: {  	(xrf2) =	vadd.scan.msk.f32 $0xffff, v15;
	_ =	sdelay $0x9  }
0x9f: {  	s28 =	spop (v2sf);
	v57, _, _ =	vpop (xrf2)  }
0xa0: {  	s19 =	sadd.f32 s28, s19;
	v15 =	vsub.f32 v57, v15;
	_ =	sdelay $0x1  }
0xa1: {  	v15 =	vadd.f32 s19, v15;
	_ =	sdelay $0x1  }
0xa2: {  	v15 =	vsub.f32 $0.0e+00, v15;
	_ =	sdelay $0x1  }
0xa3: {  	v15 =	vmul.f32 $1.442695020e+00, v15;
	_ =	sdelay $0x1  }
0xa4: {  	(erf) = vpow2.f32 v15;
	_ =	sdelay $0x8  }
0xa5: {  	v15 =	vpop (erf)  }
0xa6: {  	v15 =	vsub.f32 $1.000000000e+00, v15;
	_ =	sdelay $0x1  }
0xa7: {  	[tilespmem:$0xA040] =	vst v15  }
0xa8: {  	v15 =	vld [tilespmem:s17+$0x10];
	_ =	sdelay $0x4  }
0xa9: {  	v58 =	vand.u32 $0x7FFFFFFF, v15  }
0xaa: {  	v17 =	vmul.f32 $-1.000000000e+01, v58;
	_ =	sdelay $0x1  }
0xab: {  	v17 =	vmul.f32 $1.442695020e+00, v17;
	_ =	sdelay $0x1  }
0xac: {  	(erf) = vpow2.f32 v17;
	_ =	sdelay $0x2  }
0xad: {  	v59 =	vor.u32 s15, v5;
	_ =	sdelay $0x3  }
0xae: {  	v60 =	vld [tilespmem:s18+$0x10]  }
0xaf: {  	v17 =	vld.idx.msk [tilespmem:v59+s4+$0x0], $0xffff  }
0xb0: {  	v61 =	vpop (erf)  }
0xb1: {  	v19 =	vmul.f32 $5.000000000e+00, v61;
	_ =	sdelay $0x1  }
0xb2: {  	(v2sf) =	vpush v57, $0xF;
	v62 =	vsub.f32 $1.000000000e+01, v19  }
0xb3: {  	vm5 =	vge.f32 v15, $0.0e+00;
	v15 =	vsub.f32 v17, v60  }
0xb4: {  	v16 =	vsel vm5, v19, v62  }
0xb5: {  	v15 =	vmul.f32 v16, v15;
	_ =	sdelay $0x1  }
0xb6: {  	(xrf2) =	vadd.scan.msk.f32 $0xffff, v15;
	_ =	sdelay $0x9  }
0xb7: {  	s29 =	spop (v2sf);
	v63, _, _ =	vpop (xrf2)  }
0xb8: {  	s19 =	sadd.f32 s29, s19;
	v15 =	vsub.f32 v63, v15;
	_ =	sdelay $0x1  }
0xb9: {  	v15 =	vadd.f32 s19, v15;
	_ =	sdelay $0x1  }
0xba: {  	v15 =	vsub.f32 $0.0e+00, v15;
	_ =	sdelay $0x1  }
0xbb: {  	v15 =	vmul.f32 $1.442695020e+00, v15;
	_ =	sdelay $0x1  }
0xbc: {  	(erf) = vpow2.f32 v15;
	_ =	sdelay $0x8  }
0xbd: {  	v15 =	vpop (erf)  }
0xbe: {  	v15 =	vsub.f32 $1.000000000e+00, v15;
	_ =	sdelay $0x1  }
0xbf: {  	[tilespmem:$0xA050] =	vst v15  }
0xc0: {  	v15 =	vld [tilespmem:s17+$0x20];
	_ =	sdelay $0x4  }
0xc1: {  	v20 =	vand.u32 $0x7FFFFFFF, v15  }
0xc2: {  	v17 =	vmul.f32 $-1.000000000e+01, v20;
	_ =	sdelay $0x1  }
0xc3: {  	v17 =	vmul.f32 $1.442695020e+00, v17;
	_ =	sdelay $0x1  }
0xc4: {  	(erf) = vpow2.f32 v17;
	_ =	sdelay $0x2  }
0xc5: {  	v21 =	vor.u32 s15, v6;
	_ =	sdelay $0x3  }
0xc6: {  	v22 =	vld [tilespmem:s18+$0x20]  }
0xc7: {  	v17 =	vld.idx.msk [tilespmem:v21+s4+$0x0], $0xffff  }
0xc8: {  	v23 =	vpop (erf)  }
0xc9: {  	v19 =	vmul.f32 $5.000000000e+00, v23;
	_ =	sdelay $0x1  }
0xca: {  	(v2sf) =	vpush v63, $0xF;
	v24 =	vsub.f32 $1.000000000e+01, v19  }
0xcb: {  	vm6 =	vge.f32 v15, $0.0e+00;
	v15 =	vsub.f32 v17, v22  }
0xcc: {  	v16 =	vsel vm6, v19, v24  }
0xcd: {  	v15 =	vmul.f32 v16, v15;
	_ =	sdelay $0x1  }
0xce: {  	(xrf2) =	vadd.scan.msk.f32 $0xffff, v15;
	_ =	sdelay $0x9  }
0xcf: {  	s30 =	spop (v2sf);
	v25, _, _ =	vpop (xrf2)  }
0xd0: {  	s19 =	sadd.f32 s30, s19;
	v15 =	vsub.f32 v25, v15;
	_ =	sdelay $0x1  }
0xd1: {  	v15 =	vadd.f32 s19, v15;
	_ =	sdelay $0x1  }
0xd2: {  	v15 =	vsub.f32 $0.0e+00, v15;
	_ =	sdelay $0x1  }
0xd3: {  	v15 =	vmul.f32 $1.442695020e+00, v15;
	_ =	sdelay $0x1  }
0xd4: {  	(erf) = vpow2.f32 v15;
	_ =	sdelay $0x8  }
0xd5: {  	v15 =	vpop (erf)  }
0xd6: {  	v15 =	vsub.f32 $1.000000000e+00, v15;
	_ =	sdelay $0x1  }
0xd7: {  	[tilespmem:$0xA060] =	vst v15  }
0xd8: {  	v15 =	vld [tilespmem:s17+$0x30];
	_ =	sdelay $0x4  }
0xd9: {  	v26 =	vand.u32 $0x7FFFFFFF, v15  }
0xda: {  	v17 =	vmul.f32 $-1.000000000e+01, v26;
	_ =	sdelay $0x1  }
0xdb: {  	v17 =	vmul.f32 $1.442695020e+00, v17;
	_ =	sdelay $0x1  }
0xdc: {  	(erf) = vpow2.f32 v17;
	_ =	sdelay $0x2  }
0xdd: {  	v27 =	vor.u32 s15, v7;
	_ =	sdelay $0x3  }
0xde: {  	v28 =	vld [tilespmem:s18+$0x30]  }
0xdf: {  	v17 =	vld.idx.msk [tilespmem:v27+s4+$0x0], $0xffff  }
0xe0: {  	v29 =	vpop (erf)  }
0xe1: {  	v19 =	vmul.f32 $5.000000000e+00, v29;
	_ =	sdelay $0x1  }
0xe2: {  	(v2sf) =	vpush v25, $0xF;
	v30 =	vsub.f32 $1.000000000e+01, v19  }
0xe3: {  	vm7 =	vge.f32 v15, $0.0e+00;
	v15 =	vsub.f32 v17, v28  }
0xe4: {  	v16 =	vsel vm7, v19, v30  }
0xe5: {  	v15 =	vmul.f32 v16, v15;
	_ =	sdelay $0x1  }
0xe6: {  	(xrf2) =	vadd.scan.msk.f32 $0xffff, v15;
	_ =	sdelay $0x9  }
0xe7: {  	s31 =	spop (v2sf);
	v31, _, _ =	vpop (xrf2)  }
0xe8: {  	s19 =	sadd.f32 s31, s19;
	v15 =	vsub.f32 v31, v15;
	_ =	sdelay $0x1  }
0xe9: {  	v15 =	vadd.f32 s19, v15;
	_ =	sdelay $0x1  }
0xea: {  	v15 =	vsub.f32 $0.0e+00, v15;
	_ =	sdelay $0x1  }
0xeb: {  	v15 =	vmul.f32 $1.442695020e+00, v15;
	_ =	sdelay $0x1  }
0xec: {  	(erf) = vpow2.f32 v15;
	_ =	sdelay $0x8  }
0xed: {  	v15 =	vpop (erf)  }
0xee: {  	v15 =	vsub.f32 $1.000000000e+00, v15;
	_ =	sdelay $0x1  }
0xef: {  	[tilespmem:$0xA070] =	vst v15  }
0xf0: {  	v15 =	vld.idx.msk [tilespmem:v8+s10+$0x0], $0xffff;
	_ =	sdelay $0x4  }
0xf1: {  	vm8 =	vlt.f32 v15, v9  }
0xf2: {  	v15 =	vsel vm8, $0x40, v10  }
0xf3: {  	v32 =	vor.u32 $0x1F, v15;
	_ =	sdelay $0x4  }
0xf4: {  	v16 =	vld.idx.msk [tilespmem:v32+s10+$0x0], $0xffff;
	_ =	sdelay $0x4  }
0xf5: {  	v33 =	vor.u32 $0x20, v15;
	vm9 =	vlt.f32 v16, v9  }
0xf6: {  	v15 =	vsel vm9, v33, v15  }
0xf7: {  	v16 =	vor.u32 $0xF, v15;
	_ =	sdelay $0x4  }
0xf8: {  	v16 =	vld.idx.msk [tilespmem:v16+s10+$0x0], $0xffff;
	_ =	sdelay $0x4  }
0xf9: {  	v34 =	vor.u32 $0x10, v15;
	vm10 =	vlt.f32 v16, v9  }
0xfa: {  	v15 =	vsel vm10, v34, v15  }
0xfb: {  	v16 =	vor.u32 $0x7, v15;
	_ =	sdelay $0x4  }
0xfc: {  	v16 =	vld.idx.msk [tilespmem:v16+s10+$0x0], $0xffff;
	_ =	sdelay $0x4  }
0xfd: {  	v35 =	vor.u32 $0x8, v15;
	vm11 =	vlt.f32 v16, v9  }
0xfe: {  	v15 =	vsel vm11, v35, v15  }
0xff: {  	v16 =	vadd.s32 $0x3, v15;
	_ =	sdelay $0x4  }
0x100: {  	v16 =	vld.idx.msk [tilespmem:v16+s10+$0x0], $0xffff;
	_ =	sdelay $0x4  }
0x101: {  	v36 =	vadd.s32 $0x4, v15;
	vm12 =	vlt.f32 v16, v9  }
0x102: {  	v15 =	vsel vm12, v36, v15  }
0x103: {  	v16 =	vadd.s32 $0x1, v15;
	_ =	sdelay $0x4  }
0x104: {  	v16 =	vld.idx.msk [tilespmem:v16+s10+$0x0], $0xffff;
	_ =	sdelay $0x4  }
0x105: {  	v37 =	vadd.s32 $0x2, v15;
	vm13 =	vlt.f32 v16, v9  }
0x106: {  	v15 =	vsel vm13, v37, v15;
	_ =	sdelay $0x4  }
0x107: {  	v16 =	vld.idx.msk [tilespmem:v15+s10+$0x0], $0xffff;
	_ =	sdelay $0x4  }
0x108: {  	vm14 =	vlt.f32 v16, v9  }
0x109: {  	v16 =	vsel vm14, $0x1, v10  }
0x10a: {  	v15 =	vadd.s32 v16, v15  }
0x10b: {  	v16 =	vmax.u32 v15, $0x1;
	v15 =	vmin.u32 v15, $0x7E  }
0x10c: {  	v16 =	vsub.s32 v16, v12;
	_ =	sdelay $0x3  }
0x10d: {  	v39 =	vld.idx.msk [tilespmem:v15+s10+$0x0], $0xffff  }
0x10e: {  	v38 =	vld.idx.msk [tilespmem:v16+s10+$0x0], $0xffff;
	_ =	sdelay $0x4  }
0x10f: {  	v18 =	vsub.f32 v39, v38;
	_ =	sdelay $0x1  }
0x110: {  	vm15 =	vlt.f32 v18, $9.999999740e-06  }
0x111: {  	v15 =	vor.u32 s15, v15;
	v18 =	vsel vm15, $0x3F800000, v18  }
0x112: {  	v16 =	vadd.s32 s15, v16;
	(erf) = vrcp.f32 v18;
	_ =	sdelay $0x3  }
0x113: {  	v15 =	vld.idx.msk [tilespmem:v15+s4+$0x0], $0xffff  }
0x114: {  	v16 =	vld.idx.msk [tilespmem:v16+s4+$0x0], $0xffff;
	_ =	sdelay $0x2  }
0x115: {  	v17 =	vsub.f32 v9, v38  }
0x116: {  	v18 =	vpop (erf)  }
0x117: {  	v15 =	vsub.f32 v15, v16;
	v17 =	vmul.f32 v18, v17;
	_ =	sdelay $0x1  }
0x118: {  	v15 =	vmul.f32 v17, v15;
	_ =	sdelay $0x1  }
0x119: {  	v15 =	vadd.f32 v15, v16;
	_ =	sdelay $0x1  }
0x11a: {  	[tilespmem:s16+$0xFFFFFFE0] =	vst v15  }
0x11b: {  	v15 =	vld.idx.msk [tilespmem:v8+s10+$0x0], $0xffff;
	_ =	sdelay $0x4  }
0x11c: {  	vm4 =	vlt.f32 v15, v11  }
0x11d: {  	v15 =	vsel vm4, $0x40, v10  }
0x11e: {  	v40 =	vor.u32 $0x1F, v15;
	_ =	sdelay $0x4  }
0x11f: {  	v16 =	vld.idx.msk [tilespmem:v40+s10+$0x0], $0xffff;
	_ =	sdelay $0x4  }
0x120: {  	v41 =	vor.u32 $0x20, v15;
	vm5 =	vlt.f32 v16, v11  }
0x121: {  	v15 =	vsel vm5, v41, v15  }
0x122: {  	v16 =	vor.u32 $0xF, v15;
	_ =	sdelay $0x4  }
0x123: {  	v16 =	vld.idx.msk [tilespmem:v16+s10+$0x0], $0xffff;
	_ =	sdelay $0x4  }
0x124: {  	v42 =	vor.u32 $0x10, v15;
	vm6 =	vlt.f32 v16, v11  }
0x125: {  	v15 =	vsel vm6, v42, v15  }
0x126: {  	v16 =	vor.u32 $0x7, v15;
	_ =	sdelay $0x4  }
0x127: {  	v16 =	vld.idx.msk [tilespmem:v16+s10+$0x0], $0xffff;
	_ =	sdelay $0x4  }
0x128: {  	v43 =	vor.u32 $0x8, v15;
	vm7 =	vlt.f32 v16, v11  }
0x129: {  	v15 =	vsel vm7, v43, v15  }
0x12a: {  	v16 =	vadd.s32 $0x3, v15;
	_ =	sdelay $0x4  }
0x12b: {  	v16 =	vld.idx.msk [tilespmem:v16+s10+$0x0], $0xffff;
	_ =	sdelay $0x4  }
0x12c: {  	v44 =	vadd.s32 $0x4, v15;
	vm8 =	vlt.f32 v16, v11  }
0x12d: {  	v15 =	vsel vm8, v44, v15  }
0x12e: {  	v16 =	vadd.s32 $0x1, v15;
	_ =	sdelay $0x4  }
0x12f: {  	v16 =	vld.idx.msk [tilespmem:v16+s10+$0x0], $0xffff;
	_ =	sdelay $0x4  }
0x130: {  	v45 =	vadd.s32 $0x2, v15;
	vm9 =	vlt.f32 v16, v11  }
0x131: {  	v15 =	vsel vm9, v45, v15;
	_ =	sdelay $0x4  }
0x132: {  	v16 =	vld.idx.msk [tilespmem:v15+s10+$0x0], $0xffff;
	_ =	sdelay $0x4  }
0x133: {  	vm10 =	vlt.f32 v16, v11  }
0x134: {  	v16 =	vsel vm10, $0x1, v10  }
0x135: {  	v15 =	vadd.s32 v16, v15  }
0x136: {  	v16 =	vmax.u32 v15, $0x1;
	v15 =	vmin.u32 v15, $0x7E  }
0x137: {  	v16 =	vsub.s32 v16, v12;
	_ =	sdelay $0x3  }
0x138: {  	v47 =	vld.idx.msk [tilespmem:v15+s10+$0x0], $0xffff  }
0x139: {  	v46 =	vld.idx.msk [tilespmem:v16+s10+$0x0], $0xffff;
	_ =	sdelay $0x4  }
0x13a: {  	v18 =	vsub.f32 v47, v46;
	_ =	sdelay $0x1  }
0x13b: {  	vm11 =	vlt.f32 v18, $9.999999740e-06  }
0x13c: {  	v15 =	vor.u32 s15, v15;
	v18 =	vsel vm11, $0x3F800000, v18  }
0x13d: {  	v16 =	vadd.s32 s15, v16;
	(erf) = vrcp.f32 v18;
	_ =	sdelay $0x3  }
0x13e: {  	v15 =	vld.idx.msk [tilespmem:v15+s4+$0x0], $0xffff  }
0x13f: {  	v16 =	vld.idx.msk [tilespmem:v16+s4+$0x0], $0xffff;
	_ =	sdelay $0x2  }
0x140: {  	v17 =	vsub.f32 v11, v46  }
0x141: {  	v18 =	vpop (erf)  }
0x142: {  	v15 =	vsub.f32 v15, v16;
	v17 =	vmul.f32 v18, v17;
	_ =	sdelay $0x1  }
0x143: {  	v15 =	vmul.f32 v17, v15;
	_ =	sdelay $0x1  }
0x144: {  	v15 =	vadd.f32 v15, v16;
	_ =	sdelay $0x1  }
0x145: {  	[tilespmem:s16+$0xFFFFFFF0] =	vst v15  }
0x146: {  	v15 =	vld.idx.msk [tilespmem:v8+s10+$0x0], $0xffff;
	_ =	sdelay $0x4  }
0x147: {  	vm12 =	vlt.f32 v15, v13  }
0x148: {  	v15 =	vsel vm12, $0x40, v10  }
0x149: {  	v48 =	vor.u32 $0x1F, v15;
	_ =	sdelay $0x4  }
0x14a: {  	v16 =	vld.idx.msk [tilespmem:v48+s10+$0x0], $0xffff;
	_ =	sdelay $0x4  }
0x14b: {  	v49 =	vor.u32 $0x20, v15;
	vm13 =	vlt.f32 v16, v13  }
0x14c: {  	v15 =	vsel vm13, v49, v15  }
0x14d: {  	v16 =	vor.u32 $0xF, v15;
	_ =	sdelay $0x4  }
0x14e: {  	v16 =	vld.idx.msk [tilespmem:v16+s10+$0x0], $0xffff;
	_ =	sdelay $0x4  }
0x14f: {  	v50 =	vor.u32 $0x10, v15;
	vm14 =	vlt.f32 v16, v13  }
0x150: {  	v15 =	vsel vm14, v50, v15  }
0x151: {  	v16 =	vor.u32 $0x7, v15;
	_ =	sdelay $0x4  }
0x152: {  	v16 =	vld.idx.msk [tilespmem:v16+s10+$0x0], $0xffff;
	_ =	sdelay $0x4  }
0x153: {  	v51 =	vor.u32 $0x8, v15;
	vm15 =	vlt.f32 v16, v13  }
0x154: {  	v15 =	vsel vm15, v51, v15  }
0x155: {  	v16 =	vadd.s32 $0x3, v15;
	_ =	sdelay $0x4  }
0x156: {  	v16 =	vld.idx.msk [tilespmem:v16+s10+$0x0], $0xffff;
	_ =	sdelay $0x4  }
0x157: {  	v52 =	vadd.s32 $0x4, v15;
	vm4 =	vlt.f32 v16, v13  }
0x158: {  	v15 =	vsel vm4, v52, v15  }
0x159: {  	v16 =	vadd.s32 $0x1, v15;
	_ =	sdelay $0x4  }
0x15a: {  	v16 =	vld.idx.msk [tilespmem:v16+s10+$0x0], $0xffff;
	_ =	sdelay $0x4  }
0x15b: {  	v53 =	vadd.s32 $0x2, v15;
	vm5 =	vlt.f32 v16, v13  }
0x15c: {  	v15 =	vsel vm5, v53, v15;
	_ =	sdelay $0x4  }
0x15d: {  	v16 =	vld.idx.msk [tilespmem:v15+s10+$0x0], $0xffff;
	_ =	sdelay $0x4  }
0x15e: {  	vm6 =	vlt.f32 v16, v13  }
0x15f: {  	v16 =	vsel vm6, $0x1, v10  }
0x160: {  	v15 =	vadd.s32 v16, v15  }
0x161: {  	v16 =	vmax.u32 v15, $0x1;
	v15 =	vmin.u32 v15, $0x7E  }
0x162: {  	v16 =	vsub.s32 v16, v12;
	_ =	sdelay $0x3  }
0x163: {  	v55 =	vld.idx.msk [tilespmem:v15+s10+$0x0], $0xffff  }
0x164: {  	v54 =	vld.idx.msk [tilespmem:v16+s10+$0x0], $0xffff;
	_ =	sdelay $0x4  }
0x165: {  	v18 =	vsub.f32 v55, v54;
	_ =	sdelay $0x1  }
0x166: {  	vm7 =	vlt.f32 v18, $9.999999740e-06  }
0x167: {  	v15 =	vor.u32 s15, v15;
	v18 =	vsel vm7, $0x3F800000, v18  }
0x168: {  	v16 =	vadd.s32 s15, v16;
	(erf) = vrcp.f32 v18;
	_ =	sdelay $0x3  }
0x169: {  	v15 =	vld.idx.msk [tilespmem:v15+s4+$0x0], $0xffff  }
0x16a: {  	v16 =	vld.idx.msk [tilespmem:v16+s4+$0x0], $0xffff;
	_ =	sdelay $0x2  }
0x16b: {  	v17 =	vsub.f32 v13, v54  }
0x16c: {  	v18 =	vpop (erf)  }
0x16d: {  	v15 =	vsub.f32 v15, v16;
	v17 =	vmul.f32 v18, v17;
	_ =	sdelay $0x1  }
0x16e: {  	v15 =	vmul.f32 v17, v15;
	_ =	sdelay $0x1  }
0x16f: {  	v15 =	vadd.f32 v15, v16;
	_ =	sdelay $0x1  }
0x170: {  	[tilespmem:s16+$0x0] =	vst v15  }
0x171: {  	v15 =	vld.idx.msk [tilespmem:v8+s10+$0x0], $0xffff;
	_ =	sdelay $0x4  }
0x172: {  	vm8 =	vlt.f32 v15, v14  }
0x173: {  	v15 =	vsel vm8, $0x40, v10  }
0x174: {  	v56 =	vor.u32 $0x1F, v15;
	_ =	sdelay $0x4  }
0x175: {  	v16 =	vld.idx.msk [tilespmem:v56+s10+$0x0], $0xffff;
	_ =	sdelay $0x4  }
0x176: {  	v57 =	vor.u32 $0x20, v15;
	vm9 =	vlt.f32 v16, v14  }
0x177: {  	v15 =	vsel vm9, v57, v15  }
0x178: {  	v16 =	vor.u32 $0xF, v15;
	_ =	sdelay $0x4  }
0x179: {  	v16 =	vld.idx.msk [tilespmem:v16+s10+$0x0], $0xffff;
	_ =	sdelay $0x4  }
0x17a: {  	v58 =	vor.u32 $0x10, v15;
	vm10 =	vlt.f32 v16, v14  }
0x17b: {  	v15 =	vsel vm10, v58, v15  }
0x17c: {  	v16 =	vor.u32 $0x7, v15;
	_ =	sdelay $0x4  }
0x17d: {  	v16 =	vld.idx.msk [tilespmem:v16+s10+$0x0], $0xffff;
	_ =	sdelay $0x4  }
0x17e: {  	v59 =	vor.u32 $0x8, v15;
	vm11 =	vlt.f32 v16, v14  }
0x17f: {  	v15 =	vsel vm11, v59, v15  }
0x180: {  	v16 =	vadd.s32 $0x3, v15;
	_ =	sdelay $0x4  }
0x181: {  	v16 =	vld.idx.msk [tilespmem:v16+s10+$0x0], $0xffff;
	_ =	sdelay $0x4  }
0x182: {  	v60 =	vadd.s32 $0x4, v15;
	vm12 =	vlt.f32 v16, v14  }
0x183: {  	v15 =	vsel vm12, v60, v15  }
0x184: {  	v16 =	vadd.s32 $0x1, v15;
	_ =	sdelay $0x4  }
0x185: {  	v16 =	vld.idx.msk [tilespmem:v16+s10+$0x0], $0xffff;
	_ =	sdelay $0x4  }
0x186: {  	v61 =	vadd.s32 $0x2, v15;
	vm13 =	vlt.f32 v16, v14  }
0x187: {  	v15 =	vsel vm13, v61, v15;
	_ =	sdelay $0x4  }
0x188: {  	v16 =	vld.idx.msk [tilespmem:v15+s10+$0x0], $0xffff;
	_ =	sdelay $0x4  }
0x189: {  	vm14 =	vlt.f32 v16, v14  }
0x18a: {  	v16 =	vsel vm14, $0x1, v10  }
0x18b: {  	v15 =	vadd.s32 v16, v15  }
0x18c: {  	v16 =	vmax.u32 v15, $0x1;
	v15 =	vmin.u32 v15, $0x7E  }
0x18d: {  	v16 =	vsub.s32 v16, v12;
	_ =	sdelay $0x3  }
0x18e: {  	v63 =	vld.idx.msk [tilespmem:v15+s10+$0x0], $0xffff  }
0x18f: {  	v62 =	vld.idx.msk [tilespmem:v16+s10+$0x0], $0xffff;
	_ =	sdelay $0x4  }
0x190: {  	v18 =	vsub.f32 v63, v62;
	_ =	sdelay $0x1  }
0x191: {  	vm15 =	vlt.f32 v18, $9.999999740e-06  }
0x192: {  	v15 =	vor.u32 s15, v15;
	v18 =	vsel vm15, $0x3F800000, v18  }
0x193: {  	v16 =	vadd.s32 s15, v16;
	(erf) = vrcp.f32 v18;
	_ =	sdelay $0x3  }
0x194: {  	v15 =	vld.idx.msk [tilespmem:v15+s4+$0x0], $0xffff  }
0x195: {  	v16 =	vld.idx.msk [tilespmem:v16+s4+$0x0], $0xffff;
	_ =	sdelay $0x2  }
0x196: {  	v17 =	vsub.f32 v14, v62  }
0x197: {  	v18 =	vpop (erf)  }
0x198: {  	v15 =	vsub.f32 v15, v16;
	v17 =	vmul.f32 v18, v17  }
0x199: {  	p0 =	sne.s32 s15, $0x3F80  }
.Ltmp0:
0x19a: {  	v15 =	vmul.f32 v17, v15;
	(pc) =	sbr.rel @p0 .LBB2_3-.Ltmp0, $4  }
0x19b: {  	_ = 	snop  }
0x19c: {  	v15 =	vadd.f32 v15, v16  }
0x19d: {  	s17 =	sadd.s32 $0x80, s17  }
0x19e: {  	s18 =	sadd.s32 $0x80, s18;
	s15 =	sadd.s32 $0x80, s15;
	[tilespmem:s16+$0x10] =	vst v15;
	s16 =	sadd.s32 $0x40, s16  }
0x19f: {  	s13 =	sadd.s32 $0x1, s13  }
0x1a0: {  	s14 =	sshll.u32 s14, $0x3;
	p0 =	sne.s32 s13, $0x10  }
.Ltmp1:
0x1a1: {  	s14 =	sadd.s32 s3, s14;
	(pc) =	sbr.rel @p0 .LBB2_2-.Ltmp1, $4  }
0x1a2: {  	[hbm4b:s14+s4] =	stream.linear.scatter [tilespmem:s11], [sflag:$0x1], $0x2000, $0x38;
	[tilespmem:$0xA080] =	vst v63  }
0x1a3: {  	_ =	swait.ge [sflag:s9], $0x2000  }
0x1a4: {  	[sflag:s9] =	ssyncset.done $0x0  }
0x1a5: {  	[sflag:s9] =	ssyncadd.s32 $0xFFFFE000  }
0x1a6: {  	s12 =	sadd.s32 $0x1, s12  }
0x1a7: {  	p0 =	sne.s32 s12, s8  }
.Ltmp2:
0x1a8: {  	_ = 	snop;
	(pc) =	sbr.rel @p0 .LBB2_1-.Ltmp2, $1  }
0x1a9: {  	_ =	sdelay $0x3  }
0x1aa: {  	_ =	sfence.sel $0x180000  }
0x1ab: {  	[bflag:$0x0] =	sbarrier.arrive $0xFFFF  }
0x1ac: {  	p0 =	sne.s32 s5, $0x0;
	_ =	strace $0x90000047  }
0x1ad: {  	s0 =	sadd.s32 @!p0 $0x100000, s2;
	[bflag:$0x2] =	sbarrier.arrive $0xFFFF  }
0x1ae: {  	[sflag:s0] =	ssyncadd.tile.s32 @!p0 $0x1;
	_ =	shalt  }
.Lfunc_end2:
_tile_overlayer_lowered:
.L_overlay_start_2:
0x1af: {  	(tag) =	ssettag $0x2  }
0x1b0: {  	s0 =	rddreg [dreg:$0x0];
	s2 =	stileid.u32  }
0x1b1: {  	s1 =	rddreg [dreg:$0x1];
	p0 =	sne.s32 s2, $0x0  }
0x1b2: {  	s3 =	rddreg [dreg:$0x2];
	[bflag:$0x3] =	sbarrier.arrive $0xFFFF;
	s2 =	simm.s32 @!p0 $0x1C01  }
0x1b3: {  	[timem:s3], [sflag:s2] =	dma.local @!p0 [hbm:s0], s1  }
0x1b4: {  	s0 =	simm.s32 @!p0 $0x1  }
0x1b5: {  	_ =	swait.ge @!p0 [sflag:s0], s1  }
0x1b6: {  	s1 =	ssub.s32 @!p0 $0x0, s1;
	[sflag:s0] =	ssyncset.done @!p0 $0x0  }
0x1b7: {  	[sflag:s0] =	ssyncadd.s32 @!p0 s1  }
0x1b8: {  	[bflag:$0x3] =	sbarrier.arrive $0xFFFF  }
0x1b9: {  	_ =	shalt  }

</sc_bundles>
